<compile_context>
chip_gen: v7x
topology: tpu7x:2x2x1
jax: 0.10.2.dev20260603
libtpu: 0.0.44.dev20260713+nightly
codegen_flags: <defaults>
</compile_context>

<pallas_src>
import functools

import jax
import jax.numpy as jnp
import numpy as np
from jax import lax
from jax.experimental import pallas as pl
from jax.experimental.pallas import tpu as pltpu
from jax.experimental.pallas import tpu_sc as plsc

_D = 128
_NC, _NS = 2, 16
_NW = _NC * _NS
_CH = 128
_NB = 4


def _pos_table(max_len: int) -> jnp.ndarray:
    pos = np.arange(max_len, dtype=np.float32).reshape(-1, 1)
    div = np.power(10000.0, np.arange(0, _D, 2, dtype=np.float32) / _D)
    x = pos / div
    p = np.zeros((max_len, _D), np.float32)
    p[:, 0::2] = np.sin(x)
    p[:, 1::2] = np.cos(x)
    return jnp.asarray(p)


@functools.cache
def _emb_call(rows: int, seq: int):
    rpw = rows // _NW
    nch = rpw // _CH
    sper = seq // _CH
    mesh = plsc.VectorSubcoreMesh(
        core_axis_name="c", subcore_axis_name="s",
        num_cores=_NC, num_subcores=_NS)

    @functools.partial(
        pl.kernel,
        mesh=mesh,
        out_type=jax.ShapeDtypeStruct((rows, _D), jnp.float32),
        scratch_types=[
            pltpu.VMEM((nch, _CH), jnp.int32),
            pltpu.VMEM((_NB, _CH, _D), jnp.float32),
            pltpu.VMEM_SHARED((seq, _D), jnp.float32),
            [pltpu.SemaphoreType.DMA] * _NB,
            [pltpu.SemaphoreType.DMA] * _NB,
            [pltpu.SemaphoreType.DMA] * _NB,
        ],
    )
    def k(x_hbm, w_hbm, p_hbm, out_hbm, idx_all, rows_v, p_sh,
          psems, gsems, osems):
        wid = lax.axis_index("s") * _NC + lax.axis_index("c")
        base = wid * rpw

        sid = lax.axis_index("s")
        srows = seq // _NS
        pltpu.sync_copy(p_hbm.at[pl.ds(sid * srows, srows)],
                        p_sh.at[pl.ds(sid * srows, srows)])
        pltpu.sync_copy(x_hbm.at[pl.ds(wid * nch, nch)], idx_all)
        plsc.subcore_barrier()

        def p_src(c):
            return p_sh.at[pl.ds(lax.rem(c, sper) * _CH, _CH)]

        def out_dst(c):
            return out_hbm.at[pl.ds(base + c * _CH, _CH)]

        def prefill(c, b):
            pltpu.async_copy(p_src(c), rows_v.at[b], psems[b])

        def gather_add(c, b):
            pltpu.async_copy(
                w_hbm.at[idx_all.at[c]], rows_v.at[b], gsems[b], add=True)

        def out_copy(c, b):
            pltpu.async_copy(rows_v.at[b], out_dst(c), osems[b])

        def wait(sems, b, src, dst):
            pltpu.make_async_copy(src, dst, sems[b]).wait()

        prefill(0, 0)
        prefill(1, 1)
        wait(psems, 0, p_src(0), rows_v.at[0])
        gather_add(0, 0)

        def ring_body(q, carry):
            for b in range(_NB):
                c = q * _NB + b
                bn = (b + 1) % _NB
                bp = (b + 2) % _NB

                @pl.when(c + 1 < nch)
                def _():
                    wait(psems, bn, p_src(c + 1), rows_v.at[bn])
                    gather_add(c + 1, bn)

                wait(gsems, b, w_hbm.at[idx_all.at[c]], rows_v.at[b])
                out_copy(c, b)

                @pl.when(c >= 2)
                def _():
                    wait(osems, bp, rows_v.at[bp], out_dst(c - 2))

                @pl.when(c + 2 < nch)
                def _():
                    prefill(c + 2, bp)
            return carry

        lax.fori_loop(0, nch // _NB, ring_body, 0, unroll=False)

        wait(osems, (nch - 2) % _NB, rows_v.at[(nch - 2) % _NB],
             out_dst(nch - 2))
        wait(osems, (nch - 1) % _NB, rows_v.at[(nch - 1) % _NB],
             out_dst(nch - 1))

    return k


def kernel(X, W):
    b, s = X.shape
    rows = b * s
    x2d = X.reshape(rows // _CH, _CH)
    p = _pos_table(s)
    out = _emb_call(rows, s)(x2d, W, p)
    return out.reshape(b, s, _D)

# --- scband reference (transcript-rebuilt; emitter-appended) ---
"""Pipeline reference for scband-embeddings-52037823758843 (READ-ONLY COPY).

The authoritative reference and input builder live on the scoring server;
editing this copy changes nothing except your own understanding.
"""

import jax, jax.numpy as jnp
import numpy as np

VOCAB = 100000
EMBED_DIM = 128
MAX_LEN = 512
BATCH = 1024
SEQ = 512


def _pos_encoding():
    pos = jnp.arange(MAX_LEN, dtype=jnp.float32).reshape(-1, 1)
    div = jnp.power(10000.0, jnp.arange(0, EMBED_DIM, 2, dtype=jnp.float32) / EMBED_DIM)
    X_ = pos / div  # [MAX_LEN, EMBED_DIM//2]
    P = jnp.zeros((1, MAX_LEN, EMBED_DIM), dtype=jnp.float32)
    P = P.at[:, :, 0::2].set(jnp.sin(X_))
    P = P.at[:, :, 1::2].set(jnp.cos(X_))
    return P


def setup_inputs(seed: int = 0) -> dict:
    key = jax.random.key(seed)
    k1, k2 = jax.random.split(key)
    X = jax.random.randint(k1, (BATCH, SEQ), 0, VOCAB, dtype=jnp.int32)
    W = jax.random.normal(k2, (VOCAB, EMBED_DIM), dtype=jnp.float32)
    return {"X": X, "W": W}


def reference(X, W):
    # nn.Embedding lookup -> gather
    emb = jnp.take(W, X, axis=0)  # [B, S, D]
    # sinusoidal positional encoding (faithful to the torch code)
    P = _pos_encoding()
    out = emb + P[:, :emb.shape[1], :]
    # dropout_p = 0.0 -> identity
    return out

if __name__ == "__main__":
    import jax
    _d = setup_inputs()
    print(jax.jit(kernel)(*tuple(_d.values())))

</pallas_src>

<mosaic_0001>
#map = affine_map<(d0, d1) -> (0, 0)>
module attributes {stable_mosaic.version = 14 : i64} {
  func.func @k(%arg0: i32, %arg1: i32, %arg2: memref<4096x128xi32, #tpu.memory_space<hbm>>, %arg3: memref<100000x128xf32, #tpu.memory_space<hbm>>, %arg4: memref<512x128xf32, #tpu.memory_space<hbm>>, %arg5: memref<524288x128xf32, #tpu.memory_space<hbm>>, %arg6: memref<128x128xi32, #tpu.memory_space<vmem>>, %arg7: memref<4x128x128xf32, #tpu.memory_space<vmem>>, %arg8: memref<512x128xf32, #tpu.memory_space<vmem_shared>>, %arg9: memref<!tpu.dma_semaphore, #tpu.memory_space<semaphore_mem>>, %arg10: memref<!tpu.dma_semaphore, #tpu.memory_space<semaphore_mem>>, %arg11: memref<!tpu.dma_semaphore, #tpu.memory_space<semaphore_mem>>, %arg12: memref<!tpu.dma_semaphore, #tpu.memory_space<semaphore_mem>>, %arg13: memref<!tpu.dma_semaphore, #tpu.memory_space<semaphore_mem>>, %arg14: memref<!tpu.dma_semaphore, #tpu.memory_space<semaphore_mem>>, %arg15: memref<!tpu.dma_semaphore, #tpu.memory_space<semaphore_mem>>, %arg16: memref<!tpu.dma_semaphore, #tpu.memory_space<semaphore_mem>>, %arg17: memref<!tpu.dma_semaphore, #tpu.memory_space<semaphore_mem>>, %arg18: memref<!tpu.dma_semaphore, #tpu.memory_space<semaphore_mem>>, %arg19: memref<!tpu.dma_semaphore, #tpu.memory_space<semaphore_mem>>, %arg20: memref<!tpu.dma_semaphore, #tpu.memory_space<semaphore_mem>>) attributes {dimension_semantics = [#tpu.dimension_semantics<core_parallel>, #tpu.dimension_semantics<subcore_parallel>], iteration_bounds = array<i64: 2, 16>, scalar_prefetch = 0 : i64, scratch_operands = 15 : i64, tpu.core_type = #tpu.core_type<sc_vector_subcore>, window_params = [{transform_indices = #map}, {transform_indices = #map}, {transform_indices = #map}, {transform_indices = #map}]} {
    %mul3A = arith.constant 2 : i32
    %mul3A_0 = arith.muli %arg1, %mul3A : i32
    %add3A = arith.addi %mul3A_0, %arg0 : i32
    %mul3A_1 = arith.constant 16384 : i32
    %mul3A_2 = arith.muli %add3A, %mul3A_1 : i32
    %mul3A_3 = arith.constant 32 : i32
    %mul3A_4 = arith.muli %arg1, %mul3A_3 : i32
    %mul3A_5 = arith.constant 32 : i32
    %mul3A_6 = arith.muli %arg1, %mul3A_5 : i32
    "tpu.region"() ({
      %run_scoped3A = tpu.sem_alloc : memref<!tpu.dma_semaphore, #tpu.memory_space<semaphore_mem>>
      %dma_start3A_107 = arith.constant 0 : i32
      %dma_start3A_108 = tpu.memref_slice %arg8[%mul3A_6, %dma_start3A_107] : memref<512x128xf32, #tpu.memory_space<vmem_shared>> -> memref<32x128xf32, #tpu.memory_space<vmem_shared>>
      %dma_start3A_109 = arith.constant 0 : i32
      %dma_start3A_110 = tpu.memref_slice %arg4[%mul3A_4, %dma_start3A_109] : memref<512x128xf32, #tpu.memory_space<hbm>> -> memref<32x128xf32, #tpu.memory_space<hbm>>
      tpu.enqueue_dma source(%dma_start3A_110 : memref<32x128xf32, #tpu.memory_space<hbm>>) target(%dma_start3A_108 : memref<32x128xf32, #tpu.memory_space<vmem_shared>>) target_semaphore(%run_scoped3A : memref<!tpu.dma_semaphore, #tpu.memory_space<semaphore_mem>>)
      %dma_wait3A_111 = arith.constant 0 : i32
      %dma_wait3A_112 = tpu.memref_slice %arg8[%mul3A_6, %dma_wait3A_111] : memref<512x128xf32, #tpu.memory_space<vmem_shared>> -> memref<32x128xf32, #tpu.memory_space<vmem_shared>>
      %dma_wait3A_113 = arith.constant 0 : i32
      %dma_wait3A_114 = tpu.memref_slice %arg4[%mul3A_4, %dma_wait3A_113] : memref<512x128xf32, #tpu.memory_space<hbm>> -> memref<32x128xf32, #tpu.memory_space<hbm>>
      tpu.wait_dma2 semaphore(%run_scoped3A : memref<!tpu.dma_semaphore, #tpu.memory_space<semaphore_mem>>) src(%dma_wait3A_114 : memref<32x128xf32, #tpu.memory_space<hbm>>) dst(%dma_wait3A_112 : memref<32x128xf32, #tpu.memory_space<vmem_shared>>)
      tpu.yield
    }) : () -> ()
    %mul3A_7 = arith.constant 128 : i32
    %mul3A_8 = arith.muli %add3A, %mul3A_7 : i32
    "tpu.region"() ({
      %run_scoped3A = tpu.sem_alloc : memref<!tpu.dma_semaphore, #tpu.memory_space<semaphore_mem>>
      %dma_start3A_107 = arith.constant 0 : i32
      %dma_start3A_108 = tpu.memref_slice %arg2[%mul3A_8, %dma_start3A_107] : memref<4096x128xi32, #tpu.memory_space<hbm>> -> memref<128x128xi32, #tpu.memory_space<hbm>>
      %dma_start3A_109 = arith.constant 0 : i32
      %dma_start3A_110 = tpu.memref_slice %arg2[%mul3A_8, %dma_start3A_109] : memref<4096x128xi32, #tpu.memory_space<hbm>> -> memref<128x128xi32, #tpu.memory_space<hbm>>
      tpu.enqueue_dma source(%dma_start3A_110 : memref<128x128xi32, #tpu.memory_space<hbm>>) target(%arg6 : memref<128x128xi32, #tpu.memory_space<vmem>>) target_semaphore(%run_scoped3A : memref<!tpu.dma_semaphore, #tpu.memory_space<semaphore_mem>>)
      %dma_wait3A_111 = arith.constant 0 : i32
      %dma_wait3A_112 = tpu.memref_slice %arg2[%mul3A_8, %dma_wait3A_111] : memref<4096x128xi32, #tpu.memory_space<hbm>> -> memref<128x128xi32, #tpu.memory_space<hbm>>
      %dma_wait3A_113 = arith.constant 0 : i32
      %dma_wait3A_114 = tpu.memref_slice %arg2[%mul3A_8, %dma_wait3A_113] : memref<4096x128xi32, #tpu.memory_space<hbm>> -> memref<128x128xi32, #tpu.memory_space<hbm>>
      tpu.wait_dma2 semaphore(%run_scoped3A : memref<!tpu.dma_semaphore, #tpu.memory_space<semaphore_mem>>) src(%dma_wait3A_114 : memref<128x128xi32, #tpu.memory_space<hbm>>) dst(%arg6 : memref<128x128xi32, #tpu.memory_space<vmem>>)
      tpu.yield
    }) : () -> ()
    %barrier3A = arith.constant 0 : index
    tpu.barrier barrier_id(%barrier3A)
    %rem3A = arith.constant 0 : i32
    %rem3A_9 = arith.constant 4 : i32
    %rem3A_10 = arith.remsi %rem3A, %rem3A_9 : i32
    %mul3A_11 = arith.constant 128 : i32
    %mul3A_12 = arith.muli %rem3A_10, %mul3A_11 : i32
    %dma_start3A = arith.constant 0 : i32
    %dma_start3A_13 = arith.constant 0 : i32
    %dma_start3A_14 = arith.constant 0 : i32
    %dma_start3A_15 = tpu.memref_slice %arg7[%dma_start3A, %dma_start3A_13, %dma_start3A_14] : memref<4x128x128xf32, #tpu.memory_space<vmem>> -> memref<1x128x128xf32, #tpu.memory_space<vmem>>
    %dma_start3A_16 = tpu.memref_squeeze %dma_start3A_15 : memref<1x128x128xf32, #tpu.memory_space<vmem>> -> memref<128x128xf32, #tpu.memory_space<vmem>>
    %dma_start3A_17 = arith.constant 0 : i32
    %dma_start3A_18 = tpu.memref_slice %arg8[%mul3A_12, %dma_start3A_17] : memref<512x128xf32, #tpu.memory_space<vmem_shared>> -> memref<128x128xf32, #tpu.memory_space<vmem_shared>>
    %dma_start3A_19 = arith.constant 0 : i32
    %dma_start3A_20 = arith.constant 0 : i32
    %dma_start3A_21 = tpu.memref_slice %arg7[%dma_start3A, %dma_start3A_19, %dma_start3A_20] : memref<4x128x128xf32, #tpu.memory_space<vmem>> -> memref<1x128x128xf32, #tpu.memory_space<vmem>>
    %dma_start3A_22 = tpu.memref_squeeze %dma_start3A_21 : memref<1x128x128xf32, #tpu.memory_space<vmem>> -> memref<128x128xf32, #tpu.memory_space<vmem>>
    %dma_start3A_23 = arith.constant 0 : i32
    %dma_start3A_24 = tpu.memref_slice %arg8[%mul3A_12, %dma_start3A_23] : memref<512x128xf32, #tpu.memory_space<vmem_shared>> -> memref<128x128xf32, #tpu.memory_space<vmem_shared>>
    tpu.enqueue_dma source(%dma_start3A_24 : memref<128x128xf32, #tpu.memory_space<vmem_shared>>) target(%dma_start3A_22 : memref<128x128xf32, #tpu.memory_space<vmem>>) target_semaphore(%arg9 : memref<!tpu.dma_semaphore, #tpu.memory_space<semaphore_mem>>)
    %rem3A_25 = arith.constant 1 : i32
    %rem3A_26 = arith.constant 4 : i32
    %rem3A_27 = arith.remsi %rem3A_25, %rem3A_26 : i32
    %mul3A_28 = arith.constant 128 : i32
    %mul3A_29 = arith.muli %rem3A_27, %mul3A_28 : i32
    %dma_start3A_30 = arith.constant 1 : i32
    %dma_start3A_31 = arith.constant 0 : i32
    %dma_start3A_32 = arith.constant 0 : i32
    %dma_start3A_33 = tpu.memref_slice %arg7[%dma_start3A_30, %dma_start3A_31, %dma_start3A_32] : memref<4x128x128xf32, #tpu.memory_space<vmem>> -> memref<1x128x128xf32, #tpu.memory_space<vmem>>
    %dma_start3A_34 = tpu.memref_squeeze %dma_start3A_33 : memref<1x128x128xf32, #tpu.memory_space<vmem>> -> memref<128x128xf32, #tpu.memory_space<vmem>>
    %dma_start3A_35 = arith.constant 0 : i32
    %dma_start3A_36 = tpu.memref_slice %arg8[%mul3A_29, %dma_start3A_35] : memref<512x128xf32, #tpu.memory_space<vmem_shared>> -> memref<128x128xf32, #tpu.memory_space<vmem_shared>>
    %dma_start3A_37 = arith.constant 0 : i32
    %dma_start3A_38 = arith.constant 0 : i32
    %dma_start3A_39 = tpu.memref_slice %arg7[%dma_start3A_30, %dma_start3A_37, %dma_start3A_38] : memref<4x128x128xf32, #tpu.memory_space<vmem>> -> memref<1x128x128xf32, #tpu.memory_space<vmem>>
    %dma_start3A_40 = tpu.memref_squeeze %dma_start3A_39 : memref<1x128x128xf32, #tpu.memory_space<vmem>> -> memref<128x128xf32, #tpu.memory_space<vmem>>
    %dma_start3A_41 = arith.constant 0 : i32
    %dma_start3A_42 = tpu.memref_slice %arg8[%mul3A_29, %dma_start3A_41] : memref<512x128xf32, #tpu.memory_space<vmem_shared>> -> memref<128x128xf32, #tpu.memory_space<vmem_shared>>
    tpu.enqueue_dma source(%dma_start3A_42 : memref<128x128xf32, #tpu.memory_space<vmem_shared>>) target(%dma_start3A_40 : memref<128x128xf32, #tpu.memory_space<vmem>>) target_semaphore(%arg10 : memref<!tpu.dma_semaphore, #tpu.memory_space<semaphore_mem>>)
    %rem3A_43 = arith.constant 0 : i32
    %rem3A_44 = arith.constant 4 : i32
    %rem3A_45 = arith.remsi %rem3A_43, %rem3A_44 : i32
    %mul3A_46 = arith.constant 128 : i32
    %mul3A_47 = arith.muli %rem3A_45, %mul3A_46 : i32
    %dma_wait3A = arith.constant 0 : i32
    %dma_wait3A_48 = arith.constant 0 : i32
    %dma_wait3A_49 = arith.constant 0 : i32
    %dma_wait3A_50 = tpu.memref_slice %arg7[%dma_wait3A, %dma_wait3A_48, %dma_wait3A_49] : memref<4x128x128xf32, #tpu.memory_space<vmem>> -> memref<1x128x128xf32, #tpu.memory_space<vmem>>
    %dma_wait3A_51 = tpu.memref_squeeze %dma_wait3A_50 : memref<1x128x128xf32, #tpu.memory_space<vmem>> -> memref<128x128xf32, #tpu.memory_space<vmem>>
    %dma_wait3A_52 = arith.constant 0 : i32
    %dma_wait3A_53 = tpu.memref_slice %arg8[%mul3A_47, %dma_wait3A_52] : memref<512x128xf32, #tpu.memory_space<vmem_shared>> -> memref<128x128xf32, #tpu.memory_space<vmem_shared>>
    %dma_wait3A_54 = arith.constant 0 : i32
    %dma_wait3A_55 = arith.constant 0 : i32
    %dma_wait3A_56 = tpu.memref_slice %arg7[%dma_wait3A, %dma_wait3A_54, %dma_wait3A_55] : memref<4x128x128xf32, #tpu.memory_space<vmem>> -> memref<1x128x128xf32, #tpu.memory_space<vmem>>
    %dma_wait3A_57 = tpu.memref_squeeze %dma_wait3A_56 : memref<1x128x128xf32, #tpu.memory_space<vmem>> -> memref<128x128xf32, #tpu.memory_space<vmem>>
    %dma_wait3A_58 = arith.constant 0 : i32
    %dma_wait3A_59 = tpu.memref_slice %arg8[%mul3A_47, %dma_wait3A_58] : memref<512x128xf32, #tpu.memory_space<vmem_shared>> -> memref<128x128xf32, #tpu.memory_space<vmem_shared>>
    tpu.wait_dma2 semaphore(%arg9 : memref<!tpu.dma_semaphore, #tpu.memory_space<semaphore_mem>>) src(%dma_wait3A_59 : memref<128x128xf32, #tpu.memory_space<vmem_shared>>) dst(%dma_wait3A_57 : memref<128x128xf32, #tpu.memory_space<vmem>>)
    %dma_start3A_60 = arith.constant 0 : i32
    %dma_start3A_61 = arith.constant 0 : i32
    %dma_start3A_62 = arith.constant 0 : i32
    %dma_start3A_63 = arith.constant 0 : i32
    %dma_start3A_64 = tpu.memref_slice %arg7[%dma_start3A_61, %dma_start3A_62, %dma_start3A_63] : memref<4x128x128xf32, #tpu.memory_space<vmem>> -> memref<1x128x128xf32, #tpu.memory_space<vmem>>
    %dma_start3A_65 = tpu.memref_squeeze %dma_start3A_64 : memref<1x128x128xf32, #tpu.memory_space<vmem>> -> memref<128x128xf32, #tpu.memory_space<vmem>>
    %dma_start3A_66 = arith.constant 0 : i32
    %dma_start3A_67 = tpu.memref_slice %arg6[%dma_start3A_60, %dma_start3A_66] : memref<128x128xi32, #tpu.memory_space<vmem>> -> memref<1x128xi32, #tpu.memory_space<vmem>>
    %dma_start3A_68 = tpu.memref_squeeze %dma_start3A_67 : memref<1x128xi32, #tpu.memory_space<vmem>> -> memref<128xi32, #tpu.memory_space<vmem>>
    %dma_start3A_69 = arith.constant 0 : i32
    %dma_start3A_70 = arith.constant 0 : i32
    %dma_start3A_71 = tpu.memref_slice %arg3[%dma_start3A_69, %dma_start3A_70] : memref<100000x128xf32, #tpu.memory_space<hbm>> -> memref<100000x128xf32, #tpu.memory_space<hbm>>
    tpu.enqueue_indirect_dma source(%dma_start3A_71 : memref<100000x128xf32, #tpu.memory_space<hbm>>) target(%dma_start3A_65 : memref<128x128xf32, #tpu.memory_space<vmem>>) offsets(%dma_start3A_68 : memref<128xi32, #tpu.memory_space<vmem>>) semaphore(%arg13 : memref<!tpu.dma_semaphore, #tpu.memory_space<semaphore_mem>>) {add = true}
    %scan3A = arith.constant 0 : i32
    %scan3A_72 = arith.constant 0 : i32
    %scan3A_73 = arith.constant 32 : i32
    %scan3A_74 = arith.addi %scan3A_72, %scan3A_73 : i32
    %scan3A_75 = arith.constant 1 : i32
    scf.for %scan3A_107 = %scan3A_72 to %scan3A_74 step %scan3A_75  : i32 {
      %mul3A_108 = arith.constant 4 : i32
      %mul3A_109 = arith.muli %scan3A_107, %mul3A_108 : i32
      %add3A_110 = arith.constant 0 : i32
      %add3A_111 = arith.addi %mul3A_109, %add3A_110 : i32
      %add3A_112 = arith.constant 1 : i32
      %add3A_113 = arith.addi %add3A_111, %add3A_112 : i32
      %lt3A = arith.constant 128 : i32
      %lt3A_114 = arith.cmpi slt, %add3A_113, %lt3A : i32
      %convert_element_type3A = arith.extui %lt3A_114 : i1 to i32
      %cond3A = arith.constant 0 : i32
      %cond3A_115 = arith.cmpi ne, %convert_element_type3A, %cond3A : i32
      scf.if %cond3A_115 {
        %add3A_304 = arith.constant 1 : i32
        %add3A_305 = arith.addi %add3A_111, %add3A_304 : i32
        %rem3A_306 = arith.constant 4 : i32
        %rem3A_307 = arith.remsi %add3A_305, %rem3A_306 : i32
        %mul3A_308 = arith.constant 128 : i32
        %mul3A_309 = arith.muli %rem3A_307, %mul3A_308 : i32
        %dma_wait3A_310 = arith.constant 1 : i32
        %dma_wait3A_311 = arith.constant 0 : i32
        %dma_wait3A_312 = arith.constant 0 : i32
        %dma_wait3A_313 = tpu.memref_slice %arg7[%dma_wait3A_310, %dma_wait3A_311, %dma_wait3A_312] : memref<4x128x128xf32, #tpu.memory_space<vmem>> -> memref<1x128x128xf32, #tpu.memory_space<vmem>>
        %dma_wait3A_314 = tpu.memref_squeeze %dma_wait3A_313 : memref<1x128x128xf32, #tpu.memory_space<vmem>> -> memref<128x128xf32, #tpu.memory_space<vmem>>
        %dma_wait3A_315 = arith.constant 0 : i32
        %dma_wait3A_316 = tpu.memref_slice %arg8[%mul3A_309, %dma_wait3A_315] : memref<512x128xf32, #tpu.memory_space<vmem_shared>> -> memref<128x128xf32, #tpu.memory_space<vmem_shared>>
        %dma_wait3A_317 = arith.constant 0 : i32
        %dma_wait3A_318 = arith.constant 0 : i32
        %dma_wait3A_319 = tpu.memref_slice %arg7[%dma_wait3A_310, %dma_wait3A_317, %dma_wait3A_318] : memref<4x128x128xf32, #tpu.memory_space<vmem>> -> memref<1x128x128xf32, #tpu.memory_space<vmem>>
        %dma_wait3A_320 = tpu.memref_squeeze %dma_wait3A_319 : memref<1x128x128xf32, #tpu.memory_space<vmem>> -> memref<128x128xf32, #tpu.memory_space<vmem>>
        %dma_wait3A_321 = arith.constant 0 : i32
        %dma_wait3A_322 = tpu.memref_slice %arg8[%mul3A_309, %dma_wait3A_321] : memref<512x128xf32, #tpu.memory_space<vmem_shared>> -> memref<128x128xf32, #tpu.memory_space<vmem_shared>>
        tpu.wait_dma2 semaphore(%arg10 : memref<!tpu.dma_semaphore, #tpu.memory_space<semaphore_mem>>) src(%dma_wait3A_322 : memref<128x128xf32, #tpu.memory_space<vmem_shared>>) dst(%dma_wait3A_320 : memref<128x128xf32, #tpu.memory_space<vmem>>)
        %add3A_323 = arith.constant 1 : i32
        %add3A_324 = arith.addi %add3A_111, %add3A_323 : i32
        %dma_start3A_325 = arith.constant 1 : i32
        %dma_start3A_326 = arith.constant 0 : i32
        %dma_start3A_327 = arith.constant 0 : i32
        %dma_start3A_328 = tpu.memref_slice %arg7[%dma_start3A_325, %dma_start3A_326, %dma_start3A_327] : memref<4x128x128xf32, #tpu.memory_space<vmem>> -> memref<1x128x128xf32, #tpu.memory_space<vmem>>
        %dma_start3A_329 = tpu.memref_squeeze %dma_start3A_328 : memref<1x128x128xf32, #tpu.memory_space<vmem>> -> memref<128x128xf32, #tpu.memory_space<vmem>>
        %dma_start3A_330 = arith.constant 0 : i32
        %dma_start3A_331 = tpu.memref_slice %arg6[%add3A_324, %dma_start3A_330] : memref<128x128xi32, #tpu.memory_space<vmem>> -> memref<1x128xi32, #tpu.memory_space<vmem>>
        %dma_start3A_332 = tpu.memref_squeeze %dma_start3A_331 : memref<1x128xi32, #tpu.memory_space<vmem>> -> memref<128xi32, #tpu.memory_space<vmem>>
        %dma_start3A_333 = arith.constant 0 : i32
        %dma_start3A_334 = arith.constant 0 : i32
        %dma_start3A_335 = tpu.memref_slice %arg3[%dma_start3A_333, %dma_start3A_334] : memref<100000x128xf32, #tpu.memory_space<hbm>> -> memref<100000x128xf32, #tpu.memory_space<hbm>>
        tpu.enqueue_indirect_dma source(%dma_start3A_335 : memref<100000x128xf32, #tpu.memory_space<hbm>>) target(%dma_start3A_329 : memref<128x128xf32, #tpu.memory_space<vmem>>) offsets(%dma_start3A_332 : memref<128xi32, #tpu.memory_space<vmem>>) semaphore(%arg14 : memref<!tpu.dma_semaphore, #tpu.memory_space<semaphore_mem>>) {add = true}
      } else {
      }
      %dma_wait3A_116 = arith.constant 0 : i32
      %dma_wait3A_117 = arith.constant 0 : i32
      %dma_wait3A_118 = arith.constant 0 : i32
      %dma_wait3A_119 = tpu.memref_slice %arg7[%dma_wait3A_116, %dma_wait3A_117, %dma_wait3A_118] : memref<4x128x128xf32, #tpu.memory_space<vmem>> -> memref<1x128x128xf32, #tpu.memory_space<vmem>>
      %dma_wait3A_120 = tpu.memref_squeeze %dma_wait3A_119 : memref<1x128x128xf32, #tpu.memory_space<vmem>> -> memref<128x128xf32, #tpu.memory_space<vmem>>
      %dma_wait3A_121 = arith.constant 0 : i32
      %dma_wait3A_122 = tpu.memref_slice %arg6[%add3A_111, %dma_wait3A_121] : memref<128x128xi32, #tpu.memory_space<vmem>> -> memref<1x128xi32, #tpu.memory_space<vmem>>
      %dma_wait3A_123 = tpu.memref_squeeze %dma_wait3A_122 : memref<1x128xi32, #tpu.memory_space<vmem>> -> memref<128xi32, #tpu.memory_space<vmem>>
      %dma_wait3A_124 = arith.constant 0 : i32
      %dma_wait3A_125 = arith.constant 0 : i32
      %dma_wait3A_126 = tpu.memref_slice %arg3[%dma_wait3A_124, %dma_wait3A_125] : memref<100000x128xf32, #tpu.memory_space<hbm>> -> memref<100000x128xf32, #tpu.memory_space<hbm>>
      tpu.wait_indirect_dma semaphore(%arg13 : memref<!tpu.dma_semaphore, #tpu.memory_space<semaphore_mem>>) src(%dma_wait3A_126 : memref<100000x128xf32, #tpu.memory_space<hbm>>) dst(%dma_wait3A_120 : memref<128x128xf32, #tpu.memory_space<vmem>>)
      %mul3A_127 = arith.constant 128 : i32
      %mul3A_128 = arith.muli %add3A_111, %mul3A_127 : i32
      %add3A_129 = arith.addi %mul3A_2, %mul3A_128 : i32
      %dma_start3A_130 = arith.constant 0 : i32
      %dma_start3A_131 = arith.constant 0 : i32
      %dma_start3A_132 = arith.constant 0 : i32
      %dma_start3A_133 = tpu.memref_slice %arg7[%dma_start3A_130, %dma_start3A_131, %dma_start3A_132] : memref<4x128x128xf32, #tpu.memory_space<vmem>> -> memref<1x128x128xf32, #tpu.memory_space<vmem>>
      %dma_start3A_134 = tpu.memref_squeeze %dma_start3A_133 : memref<1x128x128xf32, #tpu.memory_space<vmem>> -> memref<128x128xf32, #tpu.memory_space<vmem>>
      %dma_start3A_135 = arith.constant 0 : i32
      %dma_start3A_136 = tpu.memref_slice %arg5[%add3A_129, %dma_start3A_135] : memref<524288x128xf32, #tpu.memory_space<hbm>> -> memref<128x128xf32, #tpu.memory_space<hbm>>
      %dma_start3A_137 = arith.constant 0 : i32
      %dma_start3A_138 = tpu.memref_slice %arg5[%add3A_129, %dma_start3A_137] : memref<524288x128xf32, #tpu.memory_space<hbm>> -> memref<128x128xf32, #tpu.memory_space<hbm>>
      %dma_start3A_139 = arith.constant 0 : i32
      %dma_start3A_140 = arith.constant 0 : i32
      %dma_start3A_141 = tpu.memref_slice %arg7[%dma_start3A_130, %dma_start3A_139, %dma_start3A_140] : memref<4x128x128xf32, #tpu.memory_space<vmem>> -> memref<1x128x128xf32, #tpu.memory_space<vmem>>
      %dma_start3A_142 = tpu.memref_squeeze %dma_start3A_141 : memref<1x128x128xf32, #tpu.memory_space<vmem>> -> memref<128x128xf32, #tpu.memory_space<vmem>>
      tpu.enqueue_dma source(%dma_start3A_142 : memref<128x128xf32, #tpu.memory_space<vmem>>) target(%dma_start3A_138 : memref<128x128xf32, #tpu.memory_space<hbm>>) target_semaphore(%arg17 : memref<!tpu.dma_semaphore, #tpu.memory_space<semaphore_mem>>)
      %ge3A = arith.constant 2 : i32
      %ge3A_143 = arith.cmpi sge, %add3A_111, %ge3A : i32
      %convert_element_type3A_144 = arith.extui %ge3A_143 : i1 to i32
      %cond3A_145 = arith.constant 0 : i32
      %cond3A_146 = arith.cmpi ne, %convert_element_type3A_144, %cond3A_145 : i32
      scf.if %cond3A_146 {
        %sub3A = arith.constant 2 : i32
        %sub3A_304 = arith.subi %add3A_111, %sub3A : i32
        %mul3A_305 = arith.constant 128 : i32
        %mul3A_306 = arith.muli %sub3A_304, %mul3A_305 : i32
        %add3A_307 = arith.addi %mul3A_2, %mul3A_306 : i32
        %dma_wait3A_308 = arith.constant 2 : i32
        %dma_wait3A_309 = arith.constant 0 : i32
        %dma_wait3A_310 = arith.constant 0 : i32
        %dma_wait3A_311 = tpu.memref_slice %arg7[%dma_wait3A_308, %dma_wait3A_309, %dma_wait3A_310] : memref<4x128x128xf32, #tpu.memory_space<vmem>> -> memref<1x128x128xf32, #tpu.memory_space<vmem>>
        %dma_wait3A_312 = tpu.memref_squeeze %dma_wait3A_311 : memref<1x128x128xf32, #tpu.memory_space<vmem>> -> memref<128x128xf32, #tpu.memory_space<vmem>>
        %dma_wait3A_313 = arith.constant 0 : i32
        %dma_wait3A_314 = tpu.memref_slice %arg5[%add3A_307, %dma_wait3A_313] : memref<524288x128xf32, #tpu.memory_space<hbm>> -> memref<128x128xf32, #tpu.memory_space<hbm>>
        %dma_wait3A_315 = arith.constant 0 : i32
        %dma_wait3A_316 = tpu.memref_slice %arg5[%add3A_307, %dma_wait3A_315] : memref<524288x128xf32, #tpu.memory_space<hbm>> -> memref<128x128xf32, #tpu.memory_space<hbm>>
        %dma_wait3A_317 = arith.constant 0 : i32
        %dma_wait3A_318 = arith.constant 0 : i32
        %dma_wait3A_319 = tpu.memref_slice %arg7[%dma_wait3A_308, %dma_wait3A_317, %dma_wait3A_318] : memref<4x128x128xf32, #tpu.memory_space<vmem>> -> memref<1x128x128xf32, #tpu.memory_space<vmem>>
        %dma_wait3A_320 = tpu.memref_squeeze %dma_wait3A_319 : memref<1x128x128xf32, #tpu.memory_space<vmem>> -> memref<128x128xf32, #tpu.memory_space<vmem>>
        tpu.wait_dma2 semaphore(%arg19 : memref<!tpu.dma_semaphore, #tpu.memory_space<semaphore_mem>>) src(%dma_wait3A_320 : memref<128x128xf32, #tpu.memory_space<vmem>>) dst(%dma_wait3A_316 : memref<128x128xf32, #tpu.memory_space<hbm>>)
      } else {
      }
      %add3A_147 = arith.constant 2 : i32
      %add3A_148 = arith.addi %add3A_111, %add3A_147 : i32
      %lt3A_149 = arith.constant 128 : i32
      %lt3A_150 = arith.cmpi slt, %add3A_148, %lt3A_149 : i32
      %convert_element_type3A_151 = arith.extui %lt3A_150 : i1 to i32
      %cond3A_152 = arith.constant 0 : i32
      %cond3A_153 = arith.cmpi ne, %convert_element_type3A_151, %cond3A_152 : i32
      scf.if %cond3A_153 {
        %add3A_304 = arith.constant 2 : i32
        %add3A_305 = arith.addi %add3A_111, %add3A_304 : i32
        %rem3A_306 = arith.constant 4 : i32
        %rem3A_307 = arith.remsi %add3A_305, %rem3A_306 : i32
        %mul3A_308 = arith.constant 128 : i32
        %mul3A_309 = arith.muli %rem3A_307, %mul3A_308 : i32
        %dma_start3A_310 = arith.constant 2 : i32
        %dma_start3A_311 = arith.constant 0 : i32
        %dma_start3A_312 = arith.constant 0 : i32
        %dma_start3A_313 = tpu.memref_slice %arg7[%dma_start3A_310, %dma_start3A_311, %dma_start3A_312] : memref<4x128x128xf32, #tpu.memory_space<vmem>> -> memref<1x128x128xf32, #tpu.memory_space<vmem>>
        %dma_start3A_314 = tpu.memref_squeeze %dma_start3A_313 : memref<1x128x128xf32, #tpu.memory_space<vmem>> -> memref<128x128xf32, #tpu.memory_space<vmem>>
        %dma_start3A_315 = arith.constant 0 : i32
        %dma_start3A_316 = tpu.memref_slice %arg8[%mul3A_309, %dma_start3A_315] : memref<512x128xf32, #tpu.memory_space<vmem_shared>> -> memref<128x128xf32, #tpu.memory_space<vmem_shared>>
        %dma_start3A_317 = arith.constant 0 : i32
        %dma_start3A_318 = arith.constant 0 : i32
        %dma_start3A_319 = tpu.memref_slice %arg7[%dma_start3A_310, %dma_start3A_317, %dma_start3A_318] : memref<4x128x128xf32, #tpu.memory_space<vmem>> -> memref<1x128x128xf32, #tpu.memory_space<vmem>>
        %dma_start3A_320 = tpu.memref_squeeze %dma_start3A_319 : memref<1x128x128xf32, #tpu.memory_space<vmem>> -> memref<128x128xf32, #tpu.memory_space<vmem>>
        %dma_start3A_321 = arith.constant 0 : i32
        %dma_start3A_322 = tpu.memref_slice %arg8[%mul3A_309, %dma_start3A_321] : memref<512x128xf32, #tpu.memory_space<vmem_shared>> -> memref<128x128xf32, #tpu.memory_space<vmem_shared>>
        tpu.enqueue_dma source(%dma_start3A_322 : memref<128x128xf32, #tpu.memory_space<vmem_shared>>) target(%dma_start3A_320 : memref<128x128xf32, #tpu.memory_space<vmem>>) target_semaphore(%arg11 : memref<!tpu.dma_semaphore, #tpu.memory_space<semaphore_mem>>)
      } else {
      }
      %mul3A_154 = arith.constant 4 : i32
      %mul3A_155 = arith.muli %scan3A_107, %mul3A_154 : i32
      %add3A_156 = arith.constant 1 : i32
      %add3A_157 = arith.addi %mul3A_155, %add3A_156 : i32
      %add3A_158 = arith.constant 1 : i32
      %add3A_159 = arith.addi %add3A_157, %add3A_158 : i32
      %lt3A_160 = arith.constant 128 : i32
      %lt3A_161 = arith.cmpi slt, %add3A_159, %lt3A_160 : i32
      %convert_element_type3A_162 = arith.extui %lt3A_161 : i1 to i32
      %cond3A_163 = arith.constant 0 : i32
      %cond3A_164 = arith.cmpi ne, %convert_element_type3A_162, %cond3A_163 : i32
      scf.if %cond3A_164 {
        %add3A_304 = arith.constant 1 : i32
        %add3A_305 = arith.addi %add3A_157, %add3A_304 : i32
        %rem3A_306 = arith.constant 4 : i32
        %rem3A_307 = arith.remsi %add3A_305, %rem3A_306 : i32
        %mul3A_308 = arith.constant 128 : i32
        %mul3A_309 = arith.muli %rem3A_307, %mul3A_308 : i32
        %dma_wait3A_310 = arith.constant 2 : i32
        %dma_wait3A_311 = arith.constant 0 : i32
        %dma_wait3A_312 = arith.constant 0 : i32
        %dma_wait3A_313 = tpu.memref_slice %arg7[%dma_wait3A_310, %dma_wait3A_311, %dma_wait3A_312] : memref<4x128x128xf32, #tpu.memory_space<vmem>> -> memref<1x128x128xf32, #tpu.memory_space<vmem>>
        %dma_wait3A_314 = tpu.memref_squeeze %dma_wait3A_313 : memref<1x128x128xf32, #tpu.memory_space<vmem>> -> memref<128x128xf32, #tpu.memory_space<vmem>>
        %dma_wait3A_315 = arith.constant 0 : i32
        %dma_wait3A_316 = tpu.memref_slice %arg8[%mul3A_309, %dma_wait3A_315] : memref<512x128xf32, #tpu.memory_space<vmem_shared>> -> memref<128x128xf32, #tpu.memory_space<vmem_shared>>
        %dma_wait3A_317 = arith.constant 0 : i32
        %dma_wait3A_318 = arith.constant 0 : i32
        %dma_wait3A_319 = tpu.memref_slice %arg7[%dma_wait3A_310, %dma_wait3A_317, %dma_wait3A_318] : memref<4x128x128xf32, #tpu.memory_space<vmem>> -> memref<1x128x128xf32, #tpu.memory_space<vmem>>
        %dma_wait3A_320 = tpu.memref_squeeze %dma_wait3A_319 : memref<1x128x128xf32, #tpu.memory_space<vmem>> -> memref<128x128xf32, #tpu.memory_space<vmem>>
        %dma_wait3A_321 = arith.constant 0 : i32
        %dma_wait3A_322 = tpu.memref_slice %arg8[%mul3A_309, %dma_wait3A_321] : memref<512x128xf32, #tpu.memory_space<vmem_shared>> -> memref<128x128xf32, #tpu.memory_space<vmem_shared>>
        tpu.wait_dma2 semaphore(%arg11 : memref<!tpu.dma_semaphore, #tpu.memory_space<semaphore_mem>>) src(%dma_wait3A_322 : memref<128x128xf32, #tpu.memory_space<vmem_shared>>) dst(%dma_wait3A_320 : memref<128x128xf32, #tpu.memory_space<vmem>>)
        %add3A_323 = arith.constant 1 : i32
        %add3A_324 = arith.addi %add3A_157, %add3A_323 : i32
        %dma_start3A_325 = arith.constant 2 : i32
        %dma_start3A_326 = arith.constant 0 : i32
        %dma_start3A_327 = arith.constant 0 : i32
        %dma_start3A_328 = tpu.memref_slice %arg7[%dma_start3A_325, %dma_start3A_326, %dma_start3A_327] : memref<4x128x128xf32, #tpu.memory_space<vmem>> -> memref<1x128x128xf32, #tpu.memory_space<vmem>>
        %dma_start3A_329 = tpu.memref_squeeze %dma_start3A_328 : memref<1x128x128xf32, #tpu.memory_space<vmem>> -> memref<128x128xf32, #tpu.memory_space<vmem>>
        %dma_start3A_330 = arith.constant 0 : i32
        %dma_start3A_331 = tpu.memref_slice %arg6[%add3A_324, %dma_start3A_330] : memref<128x128xi32, #tpu.memory_space<vmem>> -> memref<1x128xi32, #tpu.memory_space<vmem>>
        %dma_start3A_332 = tpu.memref_squeeze %dma_start3A_331 : memref<1x128xi32, #tpu.memory_space<vmem>> -> memref<128xi32, #tpu.memory_space<vmem>>
        %dma_start3A_333 = arith.constant 0 : i32
        %dma_start3A_334 = arith.constant 0 : i32
        %dma_start3A_335 = tpu.memref_slice %arg3[%dma_start3A_333, %dma_start3A_334] : memref<100000x128xf32, #tpu.memory_space<hbm>> -> memref<100000x128xf32, #tpu.memory_space<hbm>>
        tpu.enqueue_indirect_dma source(%dma_start3A_335 : memref<100000x128xf32, #tpu.memory_space<hbm>>) target(%dma_start3A_329 : memref<128x128xf32, #tpu.memory_space<vmem>>) offsets(%dma_start3A_332 : memref<128xi32, #tpu.memory_space<vmem>>) semaphore(%arg15 : memref<!tpu.dma_semaphore, #tpu.memory_space<semaphore_mem>>) {add = true}
      } else {
      }
      %dma_wait3A_165 = arith.constant 1 : i32
      %dma_wait3A_166 = arith.constant 0 : i32
      %dma_wait3A_167 = arith.constant 0 : i32
      %dma_wait3A_168 = tpu.memref_slice %arg7[%dma_wait3A_165, %dma_wait3A_166, %dma_wait3A_167] : memref<4x128x128xf32, #tpu.memory_space<vmem>> -> memref<1x128x128xf32, #tpu.memory_space<vmem>>
      %dma_wait3A_169 = tpu.memref_squeeze %dma_wait3A_168 : memref<1x128x128xf32, #tpu.memory_space<vmem>> -> memref<128x128xf32, #tpu.memory_space<vmem>>
      %dma_wait3A_170 = arith.constant 0 : i32
      %dma_wait3A_171 = tpu.memref_slice %arg6[%add3A_157, %dma_wait3A_170] : memref<128x128xi32, #tpu.memory_space<vmem>> -> memref<1x128xi32, #tpu.memory_space<vmem>>
      %dma_wait3A_172 = tpu.memref_squeeze %dma_wait3A_171 : memref<1x128xi32, #tpu.memory_space<vmem>> -> memref<128xi32, #tpu.memory_space<vmem>>
      %dma_wait3A_173 = arith.constant 0 : i32
      %dma_wait3A_174 = arith.constant 0 : i32
      %dma_wait3A_175 = tpu.memref_slice %arg3[%dma_wait3A_173, %dma_wait3A_174] : memref<100000x128xf32, #tpu.memory_space<hbm>> -> memref<100000x128xf32, #tpu.memory_space<hbm>>
      tpu.wait_indirect_dma semaphore(%arg14 : memref<!tpu.dma_semaphore, #tpu.memory_space<semaphore_mem>>) src(%dma_wait3A_175 : memref<100000x128xf32, #tpu.memory_space<hbm>>) dst(%dma_wait3A_169 : memref<128x128xf32, #tpu.memory_space<vmem>>)
      %mul3A_176 = arith.constant 128 : i32
      %mul3A_177 = arith.muli %add3A_157, %mul3A_176 : i32
      %add3A_178 = arith.addi %mul3A_2, %mul3A_177 : i32
      %dma_start3A_179 = arith.constant 1 : i32
      %dma_start3A_180 = arith.constant 0 : i32
      %dma_start3A_181 = arith.constant 0 : i32
      %dma_start3A_182 = tpu.memref_slice %arg7[%dma_start3A_179, %dma_start3A_180, %dma_start3A_181] : memref<4x128x128xf32, #tpu.memory_space<vmem>> -> memref<1x128x128xf32, #tpu.memory_space<vmem>>
      %dma_start3A_183 = tpu.memref_squeeze %dma_start3A_182 : memref<1x128x128xf32, #tpu.memory_space<vmem>> -> memref<128x128xf32, #tpu.memory_space<vmem>>
      %dma_start3A_184 = arith.constant 0 : i32
      %dma_start3A_185 = tpu.memref_slice %arg5[%add3A_178, %dma_start3A_184] : memref<524288x128xf32, #tpu.memory_space<hbm>> -> memref<128x128xf32, #tpu.memory_space<hbm>>
      %dma_start3A_186 = arith.constant 0 : i32
      %dma_start3A_187 = tpu.memref_slice %arg5[%add3A_178, %dma_start3A_186] : memref<524288x128xf32, #tpu.memory_space<hbm>> -> memref<128x128xf32, #tpu.memory_space<hbm>>
      %dma_start3A_188 = arith.constant 0 : i32
      %dma_start3A_189 = arith.constant 0 : i32
      %dma_start3A_190 = tpu.memref_slice %arg7[%dma_start3A_179, %dma_start3A_188, %dma_start3A_189] : memref<4x128x128xf32, #tpu.memory_space<vmem>> -> memref<1x128x128xf32, #tpu.memory_space<vmem>>
      %dma_start3A_191 = tpu.memref_squeeze %dma_start3A_190 : memref<1x128x128xf32, #tpu.memory_space<vmem>> -> memref<128x128xf32, #tpu.memory_space<vmem>>
      tpu.enqueue_dma source(%dma_start3A_191 : memref<128x128xf32, #tpu.memory_space<vmem>>) target(%dma_start3A_187 : memref<128x128xf32, #tpu.memory_space<hbm>>) target_semaphore(%arg18 : memref<!tpu.dma_semaphore, #tpu.memory_space<semaphore_mem>>)
      %ge3A_192 = arith.constant 2 : i32
      %ge3A_193 = arith.cmpi sge, %add3A_157, %ge3A_192 : i32
      %convert_element_type3A_194 = arith.extui %ge3A_193 : i1 to i32
      %cond3A_195 = arith.constant 0 : i32
      %cond3A_196 = arith.cmpi ne, %convert_element_type3A_194, %cond3A_195 : i32
      scf.if %cond3A_196 {
        %sub3A = arith.constant 2 : i32
        %sub3A_304 = arith.subi %add3A_157, %sub3A : i32
        %mul3A_305 = arith.constant 128 : i32
        %mul3A_306 = arith.muli %sub3A_304, %mul3A_305 : i32
        %add3A_307 = arith.addi %mul3A_2, %mul3A_306 : i32
        %dma_wait3A_308 = arith.constant 3 : i32
        %dma_wait3A_309 = arith.constant 0 : i32
        %dma_wait3A_310 = arith.constant 0 : i32
        %dma_wait3A_311 = tpu.memref_slice %arg7[%dma_wait3A_308, %dma_wait3A_309, %dma_wait3A_310] : memref<4x128x128xf32, #tpu.memory_space<vmem>> -> memref<1x128x128xf32, #tpu.memory_space<vmem>>
        %dma_wait3A_312 = tpu.memref_squeeze %dma_wait3A_311 : memref<1x128x128xf32, #tpu.memory_space<vmem>> -> memref<128x128xf32, #tpu.memory_space<vmem>>
        %dma_wait3A_313 = arith.constant 0 : i32
        %dma_wait3A_314 = tpu.memref_slice %arg5[%add3A_307, %dma_wait3A_313] : memref<524288x128xf32, #tpu.memory_space<hbm>> -> memref<128x128xf32, #tpu.memory_space<hbm>>
        %dma_wait3A_315 = arith.constant 0 : i32
        %dma_wait3A_316 = tpu.memref_slice %arg5[%add3A_307, %dma_wait3A_315] : memref<524288x128xf32, #tpu.memory_space<hbm>> -> memref<128x128xf32, #tpu.memory_space<hbm>>
        %dma_wait3A_317 = arith.constant 0 : i32
        %dma_wait3A_318 = arith.constant 0 : i32
        %dma_wait3A_319 = tpu.memref_slice %arg7[%dma_wait3A_308, %dma_wait3A_317, %dma_wait3A_318] : memref<4x128x128xf32, #tpu.memory_space<vmem>> -> memref<1x128x128xf32, #tpu.memory_space<vmem>>
        %dma_wait3A_320 = tpu.memref_squeeze %dma_wait3A_319 : memref<1x128x128xf32, #tpu.memory_space<vmem>> -> memref<128x128xf32, #tpu.memory_space<vmem>>
        tpu.wait_dma2 semaphore(%arg20 : memref<!tpu.dma_semaphore, #tpu.memory_space<semaphore_mem>>) src(%dma_wait3A_320 : memref<128x128xf32, #tpu.memory_space<vmem>>) dst(%dma_wait3A_316 : memref<128x128xf32, #tpu.memory_space<hbm>>)
      } else {
      }
      %add3A_197 = arith.constant 2 : i32
      %add3A_198 = arith.addi %add3A_157, %add3A_197 : i32
      %lt3A_199 = arith.constant 128 : i32
      %lt3A_200 = arith.cmpi slt, %add3A_198, %lt3A_199 : i32
      %convert_element_type3A_201 = arith.extui %lt3A_200 : i1 to i32
      %cond3A_202 = arith.constant 0 : i32
      %cond3A_203 = arith.cmpi ne, %convert_element_type3A_201, %cond3A_202 : i32
      scf.if %cond3A_203 {
        %add3A_304 = arith.constant 2 : i32
        %add3A_305 = arith.addi %add3A_157, %add3A_304 : i32
        %rem3A_306 = arith.constant 4 : i32
        %rem3A_307 = arith.remsi %add3A_305, %rem3A_306 : i32
        %mul3A_308 = arith.constant 128 : i32
        %mul3A_309 = arith.muli %rem3A_307, %mul3A_308 : i32
        %dma_start3A_310 = arith.constant 3 : i32
        %dma_start3A_311 = arith.constant 0 : i32
        %dma_start3A_312 = arith.constant 0 : i32
        %dma_start3A_313 = tpu.memref_slice %arg7[%dma_start3A_310, %dma_start3A_311, %dma_start3A_312] : memref<4x128x128xf32, #tpu.memory_space<vmem>> -> memref<1x128x128xf32, #tpu.memory_space<vmem>>
        %dma_start3A_314 = tpu.memref_squeeze %dma_start3A_313 : memref<1x128x128xf32, #tpu.memory_space<vmem>> -> memref<128x128xf32, #tpu.memory_space<vmem>>
        %dma_start3A_315 = arith.constant 0 : i32
        %dma_start3A_316 = tpu.memref_slice %arg8[%mul3A_309, %dma_start3A_315] : memref<512x128xf32, #tpu.memory_space<vmem_shared>> -> memref<128x128xf32, #tpu.memory_space<vmem_shared>>
        %dma_start3A_317 = arith.constant 0 : i32
        %dma_start3A_318 = arith.constant 0 : i32
        %dma_start3A_319 = tpu.memref_slice %arg7[%dma_start3A_310, %dma_start3A_317, %dma_start3A_318] : memref<4x128x128xf32, #tpu.memory_space<vmem>> -> memref<1x128x128xf32, #tpu.memory_space<vmem>>
        %dma_start3A_320 = tpu.memref_squeeze %dma_start3A_319 : memref<1x128x128xf32, #tpu.memory_space<vmem>> -> memref<128x128xf32, #tpu.memory_space<vmem>>
        %dma_start3A_321 = arith.constant 0 : i32
        %dma_start3A_322 = tpu.memref_slice %arg8[%mul3A_309, %dma_start3A_321] : memref<512x128xf32, #tpu.memory_space<vmem_shared>> -> memref<128x128xf32, #tpu.memory_space<vmem_shared>>
        tpu.enqueue_dma source(%dma_start3A_322 : memref<128x128xf32, #tpu.memory_space<vmem_shared>>) target(%dma_start3A_320 : memref<128x128xf32, #tpu.memory_space<vmem>>) target_semaphore(%arg12 : memref<!tpu.dma_semaphore, #tpu.memory_space<semaphore_mem>>)
      } else {
      }
      %mul3A_204 = arith.constant 4 : i32
      %mul3A_205 = arith.muli %scan3A_107, %mul3A_204 : i32
      %add3A_206 = arith.constant 2 : i32
      %add3A_207 = arith.addi %mul3A_205, %add3A_206 : i32
      %add3A_208 = arith.constant 1 : i32
      %add3A_209 = arith.addi %add3A_207, %add3A_208 : i32
      %lt3A_210 = arith.constant 128 : i32
      %lt3A_211 = arith.cmpi slt, %add3A_209, %lt3A_210 : i32
      %convert_element_type3A_212 = arith.extui %lt3A_211 : i1 to i32
      %cond3A_213 = arith.constant 0 : i32
      %cond3A_214 = arith.cmpi ne, %convert_element_type3A_212, %cond3A_213 : i32
      scf.if %cond3A_214 {
        %add3A_304 = arith.constant 1 : i32
        %add3A_305 = arith.addi %add3A_207, %add3A_304 : i32
        %rem3A_306 = arith.constant 4 : i32
        %rem3A_307 = arith.remsi %add3A_305, %rem3A_306 : i32
        %mul3A_308 = arith.constant 128 : i32
        %mul3A_309 = arith.muli %rem3A_307, %mul3A_308 : i32
        %dma_wait3A_310 = arith.constant 3 : i32
        %dma_wait3A_311 = arith.constant 0 : i32
        %dma_wait3A_312 = arith.constant 0 : i32
        %dma_wait3A_313 = tpu.memref_slice %arg7[%dma_wait3A_310, %dma_wait3A_311, %dma_wait3A_312] : memref<4x128x128xf32, #tpu.memory_space<vmem>> -> memref<1x128x128xf32, #tpu.memory_space<vmem>>
        %dma_wait3A_314 = tpu.memref_squeeze %dma_wait3A_313 : memref<1x128x128xf32, #tpu.memory_space<vmem>> -> memref<128x128xf32, #tpu.memory_space<vmem>>
        %dma_wait3A_315 = arith.constant 0 : i32
        %dma_wait3A_316 = tpu.memref_slice %arg8[%mul3A_309, %dma_wait3A_315] : memref<512x128xf32, #tpu.memory_space<vmem_shared>> -> memref<128x128xf32, #tpu.memory_space<vmem_shared>>
        %dma_wait3A_317 = arith.constant 0 : i32
        %dma_wait3A_318 = arith.constant 0 : i32
        %dma_wait3A_319 = tpu.memref_slice %arg7[%dma_wait3A_310, %dma_wait3A_317, %dma_wait3A_318] : memref<4x128x128xf32, #tpu.memory_space<vmem>> -> memref<1x128x128xf32, #tpu.memory_space<vmem>>
        %dma_wait3A_320 = tpu.memref_squeeze %dma_wait3A_319 : memref<1x128x128xf32, #tpu.memory_space<vmem>> -> memref<128x128xf32, #tpu.memory_space<vmem>>
        %dma_wait3A_321 = arith.constant 0 : i32
        %dma_wait3A_322 = tpu.memref_slice %arg8[%mul3A_309, %dma_wait3A_321] : memref<512x128xf32, #tpu.memory_space<vmem_shared>> -> memref<128x128xf32, #tpu.memory_space<vmem_shared>>
        tpu.wait_dma2 semaphore(%arg12 : memref<!tpu.dma_semaphore, #tpu.memory_space<semaphore_mem>>) src(%dma_wait3A_322 : memref<128x128xf32, #tpu.memory_space<vmem_shared>>) dst(%dma_wait3A_320 : memref<128x128xf32, #tpu.memory_space<vmem>>)
        %add3A_323 = arith.constant 1 : i32
        %add3A_324 = arith.addi %add3A_207, %add3A_323 : i32
        %dma_start3A_325 = arith.constant 3 : i32
        %dma_start3A_326 = arith.constant 0 : i32
        %dma_start3A_327 = arith.constant 0 : i32
        %dma_start3A_328 = tpu.memref_slice %arg7[%dma_start3A_325, %dma_start3A_326, %dma_start3A_327] : memref<4x128x128xf32, #tpu.memory_space<vmem>> -> memref<1x128x128xf32, #tpu.memory_space<vmem>>
        %dma_start3A_329 = tpu.memref_squeeze %dma_start3A_328 : memref<1x128x128xf32, #tpu.memory_space<vmem>> -> memref<128x128xf32, #tpu.memory_space<vmem>>
        %dma_start3A_330 = arith.constant 0 : i32
        %dma_start3A_331 = tpu.memref_slice %arg6[%add3A_324, %dma_start3A_330] : memref<128x128xi32, #tpu.memory_space<vmem>> -> memref<1x128xi32, #tpu.memory_space<vmem>>
        %dma_start3A_332 = tpu.memref_squeeze %dma_start3A_331 : memref<1x128xi32, #tpu.memory_space<vmem>> -> memref<128xi32, #tpu.memory_space<vmem>>
        %dma_start3A_333 = arith.constant 0 : i32
        %dma_start3A_334 = arith.constant 0 : i32
        %dma_start3A_335 = tpu.memref_slice %arg3[%dma_start3A_333, %dma_start3A_334] : memref<100000x128xf32, #tpu.memory_space<hbm>> -> memref<100000x128xf32, #tpu.memory_space<hbm>>
        tpu.enqueue_indirect_dma source(%dma_start3A_335 : memref<100000x128xf32, #tpu.memory_space<hbm>>) target(%dma_start3A_329 : memref<128x128xf32, #tpu.memory_space<vmem>>) offsets(%dma_start3A_332 : memref<128xi32, #tpu.memory_space<vmem>>) semaphore(%arg16 : memref<!tpu.dma_semaphore, #tpu.memory_space<semaphore_mem>>) {add = true}
      } else {
      }
      %dma_wait3A_215 = arith.constant 2 : i32
      %dma_wait3A_216 = arith.constant 0 : i32
      %dma_wait3A_217 = arith.constant 0 : i32
      %dma_wait3A_218 = tpu.memref_slice %arg7[%dma_wait3A_215, %dma_wait3A_216, %dma_wait3A_217] : memref<4x128x128xf32, #tpu.memory_space<vmem>> -> memref<1x128x128xf32, #tpu.memory_space<vmem>>
      %dma_wait3A_219 = tpu.memref_squeeze %dma_wait3A_218 : memref<1x128x128xf32, #tpu.memory_space<vmem>> -> memref<128x128xf32, #tpu.memory_space<vmem>>
      %dma_wait3A_220 = arith.constant 0 : i32
      %dma_wait3A_221 = tpu.memref_slice %arg6[%add3A_207, %dma_wait3A_220] : memref<128x128xi32, #tpu.memory_space<vmem>> -> memref<1x128xi32, #tpu.memory_space<vmem>>
      %dma_wait3A_222 = tpu.memref_squeeze %dma_wait3A_221 : memref<1x128xi32, #tpu.memory_space<vmem>> -> memref<128xi32, #tpu.memory_space<vmem>>
      %dma_wait3A_223 = arith.constant 0 : i32
      %dma_wait3A_224 = arith.constant 0 : i32
      %dma_wait3A_225 = tpu.memref_slice %arg3[%dma_wait3A_223, %dma_wait3A_224] : memref<100000x128xf32, #tpu.memory_space<hbm>> -> memref<100000x128xf32, #tpu.memory_space<hbm>>
      tpu.wait_indirect_dma semaphore(%arg15 : memref<!tpu.dma_semaphore, #tpu.memory_space<semaphore_mem>>) src(%dma_wait3A_225 : memref<100000x128xf32, #tpu.memory_space<hbm>>) dst(%dma_wait3A_219 : memref<128x128xf32, #tpu.memory_space<vmem>>)
      %mul3A_226 = arith.constant 128 : i32
      %mul3A_227 = arith.muli %add3A_207, %mul3A_226 : i32
      %add3A_228 = arith.addi %mul3A_2, %mul3A_227 : i32
      %dma_start3A_229 = arith.constant 2 : i32
      %dma_start3A_230 = arith.constant 0 : i32
      %dma_start3A_231 = arith.constant 0 : i32
      %dma_start3A_232 = tpu.memref_slice %arg7[%dma_start3A_229, %dma_start3A_230, %dma_start3A_231] : memref<4x128x128xf32, #tpu.memory_space<vmem>> -> memref<1x128x128xf32, #tpu.memory_space<vmem>>
      %dma_start3A_233 = tpu.memref_squeeze %dma_start3A_232 : memref<1x128x128xf32, #tpu.memory_space<vmem>> -> memref<128x128xf32, #tpu.memory_space<vmem>>
      %dma_start3A_234 = arith.constant 0 : i32
      %dma_start3A_235 = tpu.memref_slice %arg5[%add3A_228, %dma_start3A_234] : memref<524288x128xf32, #tpu.memory_space<hbm>> -> memref<128x128xf32, #tpu.memory_space<hbm>>
      %dma_start3A_236 = arith.constant 0 : i32
      %dma_start3A_237 = tpu.memref_slice %arg5[%add3A_228, %dma_start3A_236] : memref<524288x128xf32, #tpu.memory_space<hbm>> -> memref<128x128xf32, #tpu.memory_space<hbm>>
      %dma_start3A_238 = arith.constant 0 : i32
      %dma_start3A_239 = arith.constant 0 : i32
      %dma_start3A_240 = tpu.memref_slice %arg7[%dma_start3A_229, %dma_start3A_238, %dma_start3A_239] : memref<4x128x128xf32, #tpu.memory_space<vmem>> -> memref<1x128x128xf32, #tpu.memory_space<vmem>>
      %dma_start3A_241 = tpu.memref_squeeze %dma_start3A_240 : memref<1x128x128xf32, #tpu.memory_space<vmem>> -> memref<128x128xf32, #tpu.memory_space<vmem>>
      tpu.enqueue_dma source(%dma_start3A_241 : memref<128x128xf32, #tpu.memory_space<vmem>>) target(%dma_start3A_237 : memref<128x128xf32, #tpu.memory_space<hbm>>) target_semaphore(%arg19 : memref<!tpu.dma_semaphore, #tpu.memory_space<semaphore_mem>>)
      %ge3A_242 = arith.constant 2 : i32
      %ge3A_243 = arith.cmpi sge, %add3A_207, %ge3A_242 : i32
      %convert_element_type3A_244 = arith.extui %ge3A_243 : i1 to i32
      %cond3A_245 = arith.constant 0 : i32
      %cond3A_246 = arith.cmpi ne, %convert_element_type3A_244, %cond3A_245 : i32
      scf.if %cond3A_246 {
        %sub3A = arith.constant 2 : i32
        %sub3A_304 = arith.subi %add3A_207, %sub3A : i32
        %mul3A_305 = arith.constant 128 : i32
        %mul3A_306 = arith.muli %sub3A_304, %mul3A_305 : i32
        %add3A_307 = arith.addi %mul3A_2, %mul3A_306 : i32
        %dma_wait3A_308 = arith.constant 0 : i32
        %dma_wait3A_309 = arith.constant 0 : i32
        %dma_wait3A_310 = arith.constant 0 : i32
        %dma_wait3A_311 = tpu.memref_slice %arg7[%dma_wait3A_308, %dma_wait3A_309, %dma_wait3A_310] : memref<4x128x128xf32, #tpu.memory_space<vmem>> -> memref<1x128x128xf32, #tpu.memory_space<vmem>>
        %dma_wait3A_312 = tpu.memref_squeeze %dma_wait3A_311 : memref<1x128x128xf32, #tpu.memory_space<vmem>> -> memref<128x128xf32, #tpu.memory_space<vmem>>
        %dma_wait3A_313 = arith.constant 0 : i32
        %dma_wait3A_314 = tpu.memref_slice %arg5[%add3A_307, %dma_wait3A_313] : memref<524288x128xf32, #tpu.memory_space<hbm>> -> memref<128x128xf32, #tpu.memory_space<hbm>>
        %dma_wait3A_315 = arith.constant 0 : i32
        %dma_wait3A_316 = tpu.memref_slice %arg5[%add3A_307, %dma_wait3A_315] : memref<524288x128xf32, #tpu.memory_space<hbm>> -> memref<128x128xf32, #tpu.memory_space<hbm>>
        %dma_wait3A_317 = arith.constant 0 : i32
        %dma_wait3A_318 = arith.constant 0 : i32
        %dma_wait3A_319 = tpu.memref_slice %arg7[%dma_wait3A_308, %dma_wait3A_317, %dma_wait3A_318] : memref<4x128x128xf32, #tpu.memory_space<vmem>> -> memref<1x128x128xf32, #tpu.memory_space<vmem>>
        %dma_wait3A_320 = tpu.memref_squeeze %dma_wait3A_319 : memref<1x128x128xf32, #tpu.memory_space<vmem>> -> memref<128x128xf32, #tpu.memory_space<vmem>>
        tpu.wait_dma2 semaphore(%arg17 : memref<!tpu.dma_semaphore, #tpu.memory_space<semaphore_mem>>) src(%dma_wait3A_320 : memref<128x128xf32, #tpu.memory_space<vmem>>) dst(%dma_wait3A_316 : memref<128x128xf32, #tpu.memory_space<hbm>>)
      } else {
      }
      %add3A_247 = arith.constant 2 : i32
      %add3A_248 = arith.addi %add3A_207, %add3A_247 : i32
      %lt3A_249 = arith.constant 128 : i32
      %lt3A_250 = arith.cmpi slt, %add3A_248, %lt3A_249 : i32
      %convert_element_type3A_251 = arith.extui %lt3A_250 : i1 to i32
      %cond3A_252 = arith.constant 0 : i32
      %cond3A_253 = arith.cmpi ne, %convert_element_type3A_251, %cond3A_252 : i32
      scf.if %cond3A_253 {
        %add3A_304 = arith.constant 2 : i32
        %add3A_305 = arith.addi %add3A_207, %add3A_304 : i32
        %rem3A_306 = arith.constant 4 : i32
        %rem3A_307 = arith.remsi %add3A_305, %rem3A_306 : i32
        %mul3A_308 = arith.constant 128 : i32
        %mul3A_309 = arith.muli %rem3A_307, %mul3A_308 : i32
        %dma_start3A_310 = arith.constant 0 : i32
        %dma_start3A_311 = arith.constant 0 : i32
        %dma_start3A_312 = arith.constant 0 : i32
        %dma_start3A_313 = tpu.memref_slice %arg7[%dma_start3A_310, %dma_start3A_311, %dma_start3A_312] : memref<4x128x128xf32, #tpu.memory_space<vmem>> -> memref<1x128x128xf32, #tpu.memory_space<vmem>>
        %dma_start3A_314 = tpu.memref_squeeze %dma_start3A_313 : memref<1x128x128xf32, #tpu.memory_space<vmem>> -> memref<128x128xf32, #tpu.memory_space<vmem>>
        %dma_start3A_315 = arith.constant 0 : i32
        %dma_start3A_316 = tpu.memref_slice %arg8[%mul3A_309, %dma_start3A_315] : memref<512x128xf32, #tpu.memory_space<vmem_shared>> -> memref<128x128xf32, #tpu.memory_space<vmem_shared>>
        %dma_start3A_317 = arith.constant 0 : i32
        %dma_start3A_318 = arith.constant 0 : i32
        %dma_start3A_319 = tpu.memref_slice %arg7[%dma_start3A_310, %dma_start3A_317, %dma_start3A_318] : memref<4x128x128xf32, #tpu.memory_space<vmem>> -> memref<1x128x128xf32, #tpu.memory_space<vmem>>
        %dma_start3A_320 = tpu.memref_squeeze %dma_start3A_319 : memref<1x128x128xf32, #tpu.memory_space<vmem>> -> memref<128x128xf32, #tpu.memory_space<vmem>>
        %dma_start3A_321 = arith.constant 0 : i32
        %dma_start3A_322 = tpu.memref_slice %arg8[%mul3A_309, %dma_start3A_321] : memref<512x128xf32, #tpu.memory_space<vmem_shared>> -> memref<128x128xf32, #tpu.memory_space<vmem_shared>>
        tpu.enqueue_dma source(%dma_start3A_322 : memref<128x128xf32, #tpu.memory_space<vmem_shared>>) target(%dma_start3A_320 : memref<128x128xf32, #tpu.memory_space<vmem>>) target_semaphore(%arg9 : memref<!tpu.dma_semaphore, #tpu.memory_space<semaphore_mem>>)
      } else {
      }
      %mul3A_254 = arith.constant 4 : i32
      %mul3A_255 = arith.muli %scan3A_107, %mul3A_254 : i32
      %add3A_256 = arith.constant 3 : i32
      %add3A_257 = arith.addi %mul3A_255, %add3A_256 : i32
      %add3A_258 = arith.constant 1 : i32
      %add3A_259 = arith.addi %add3A_257, %add3A_258 : i32
      %lt3A_260 = arith.constant 128 : i32
      %lt3A_261 = arith.cmpi slt, %add3A_259, %lt3A_260 : i32
      %convert_element_type3A_262 = arith.extui %lt3A_261 : i1 to i32
      %cond3A_263 = arith.constant 0 : i32
      %cond3A_264 = arith.cmpi ne, %convert_element_type3A_262, %cond3A_263 : i32
      scf.if %cond3A_264 {
        %add3A_304 = arith.constant 1 : i32
        %add3A_305 = arith.addi %add3A_257, %add3A_304 : i32
        %rem3A_306 = arith.constant 4 : i32
        %rem3A_307 = arith.remsi %add3A_305, %rem3A_306 : i32
        %mul3A_308 = arith.constant 128 : i32
        %mul3A_309 = arith.muli %rem3A_307, %mul3A_308 : i32
        %dma_wait3A_310 = arith.constant 0 : i32
        %dma_wait3A_311 = arith.constant 0 : i32
        %dma_wait3A_312 = arith.constant 0 : i32
        %dma_wait3A_313 = tpu.memref_slice %arg7[%dma_wait3A_310, %dma_wait3A_311, %dma_wait3A_312] : memref<4x128x128xf32, #tpu.memory_space<vmem>> -> memref<1x128x128xf32, #tpu.memory_space<vmem>>
        %dma_wait3A_314 = tpu.memref_squeeze %dma_wait3A_313 : memref<1x128x128xf32, #tpu.memory_space<vmem>> -> memref<128x128xf32, #tpu.memory_space<vmem>>
        %dma_wait3A_315 = arith.constant 0 : i32
        %dma_wait3A_316 = tpu.memref_slice %arg8[%mul3A_309, %dma_wait3A_315] : memref<512x128xf32, #tpu.memory_space<vmem_shared>> -> memref<128x128xf32, #tpu.memory_space<vmem_shared>>
        %dma_wait3A_317 = arith.constant 0 : i32
        %dma_wait3A_318 = arith.constant 0 : i32
        %dma_wait3A_319 = tpu.memref_slice %arg7[%dma_wait3A_310, %dma_wait3A_317, %dma_wait3A_318] : memref<4x128x128xf32, #tpu.memory_space<vmem>> -> memref<1x128x128xf32, #tpu.memory_space<vmem>>
        %dma_wait3A_320 = tpu.memref_squeeze %dma_wait3A_319 : memref<1x128x128xf32, #tpu.memory_space<vmem>> -> memref<128x128xf32, #tpu.memory_space<vmem>>
        %dma_wait3A_321 = arith.constant 0 : i32
        %dma_wait3A_322 = tpu.memref_slice %arg8[%mul3A_309, %dma_wait3A_321] : memref<512x128xf32, #tpu.memory_space<vmem_shared>> -> memref<128x128xf32, #tpu.memory_space<vmem_shared>>
        tpu.wait_dma2 semaphore(%arg9 : memref<!tpu.dma_semaphore, #tpu.memory_space<semaphore_mem>>) src(%dma_wait3A_322 : memref<128x128xf32, #tpu.memory_space<vmem_shared>>) dst(%dma_wait3A_320 : memref<128x128xf32, #tpu.memory_space<vmem>>)
        %add3A_323 = arith.constant 1 : i32
        %add3A_324 = arith.addi %add3A_257, %add3A_323 : i32
        %dma_start3A_325 = arith.constant 0 : i32
        %dma_start3A_326 = arith.constant 0 : i32
        %dma_start3A_327 = arith.constant 0 : i32
        %dma_start3A_328 = tpu.memref_slice %arg7[%dma_start3A_325, %dma_start3A_326, %dma_start3A_327] : memref<4x128x128xf32, #tpu.memory_space<vmem>> -> memref<1x128x128xf32, #tpu.memory_space<vmem>>
        %dma_start3A_329 = tpu.memref_squeeze %dma_start3A_328 : memref<1x128x128xf32, #tpu.memory_space<vmem>> -> memref<128x128xf32, #tpu.memory_space<vmem>>
        %dma_start3A_330 = arith.constant 0 : i32
        %dma_start3A_331 = tpu.memref_slice %arg6[%add3A_324, %dma_start3A_330] : memref<128x128xi32, #tpu.memory_space<vmem>> -> memref<1x128xi32, #tpu.memory_space<vmem>>
        %dma_start3A_332 = tpu.memref_squeeze %dma_start3A_331 : memref<1x128xi32, #tpu.memory_space<vmem>> -> memref<128xi32, #tpu.memory_space<vmem>>
        %dma_start3A_333 = arith.constant 0 : i32
        %dma_start3A_334 = arith.constant 0 : i32
        %dma_start3A_335 = tpu.memref_slice %arg3[%dma_start3A_333, %dma_start3A_334] : memref<100000x128xf32, #tpu.memory_space<hbm>> -> memref<100000x128xf32, #tpu.memory_space<hbm>>
        tpu.enqueue_indirect_dma source(%dma_start3A_335 : memref<100000x128xf32, #tpu.memory_space<hbm>>) target(%dma_start3A_329 : memref<128x128xf32, #tpu.memory_space<vmem>>) offsets(%dma_start3A_332 : memref<128xi32, #tpu.memory_space<vmem>>) semaphore(%arg13 : memref<!tpu.dma_semaphore, #tpu.memory_space<semaphore_mem>>) {add = true}
      } else {
      }
      %dma_wait3A_265 = arith.constant 3 : i32
      %dma_wait3A_266 = arith.constant 0 : i32
      %dma_wait3A_267 = arith.constant 0 : i32
      %dma_wait3A_268 = tpu.memref_slice %arg7[%dma_wait3A_265, %dma_wait3A_266, %dma_wait3A_267] : memref<4x128x128xf32, #tpu.memory_space<vmem>> -> memref<1x128x128xf32, #tpu.memory_space<vmem>>
      %dma_wait3A_269 = tpu.memref_squeeze %dma_wait3A_268 : memref<1x128x128xf32, #tpu.memory_space<vmem>> -> memref<128x128xf32, #tpu.memory_space<vmem>>
      %dma_wait3A_270 = arith.constant 0 : i32
      %dma_wait3A_271 = tpu.memref_slice %arg6[%add3A_257, %dma_wait3A_270] : memref<128x128xi32, #tpu.memory_space<vmem>> -> memref<1x128xi32, #tpu.memory_space<vmem>>
      %dma_wait3A_272 = tpu.memref_squeeze %dma_wait3A_271 : memref<1x128xi32, #tpu.memory_space<vmem>> -> memref<128xi32, #tpu.memory_space<vmem>>
      %dma_wait3A_273 = arith.constant 0 : i32
      %dma_wait3A_274 = arith.constant 0 : i32
      %dma_wait3A_275 = tpu.memref_slice %arg3[%dma_wait3A_273, %dma_wait3A_274] : memref<100000x128xf32, #tpu.memory_space<hbm>> -> memref<100000x128xf32, #tpu.memory_space<hbm>>
      tpu.wait_indirect_dma semaphore(%arg16 : memref<!tpu.dma_semaphore, #tpu.memory_space<semaphore_mem>>) src(%dma_wait3A_275 : memref<100000x128xf32, #tpu.memory_space<hbm>>) dst(%dma_wait3A_269 : memref<128x128xf32, #tpu.memory_space<vmem>>)
      %mul3A_276 = arith.constant 128 : i32
      %mul3A_277 = arith.muli %add3A_257, %mul3A_276 : i32
      %add3A_278 = arith.addi %mul3A_2, %mul3A_277 : i32
      %dma_start3A_279 = arith.constant 3 : i32
      %dma_start3A_280 = arith.constant 0 : i32
      %dma_start3A_281 = arith.constant 0 : i32
      %dma_start3A_282 = tpu.memref_slice %arg7[%dma_start3A_279, %dma_start3A_280, %dma_start3A_281] : memref<4x128x128xf32, #tpu.memory_space<vmem>> -> memref<1x128x128xf32, #tpu.memory_space<vmem>>
      %dma_start3A_283 = tpu.memref_squeeze %dma_start3A_282 : memref<1x128x128xf32, #tpu.memory_space<vmem>> -> memref<128x128xf32, #tpu.memory_space<vmem>>
      %dma_start3A_284 = arith.constant 0 : i32
      %dma_start3A_285 = tpu.memref_slice %arg5[%add3A_278, %dma_start3A_284] : memref<524288x128xf32, #tpu.memory_space<hbm>> -> memref<128x128xf32, #tpu.memory_space<hbm>>
      %dma_start3A_286 = arith.constant 0 : i32
      %dma_start3A_287 = tpu.memref_slice %arg5[%add3A_278, %dma_start3A_286] : memref<524288x128xf32, #tpu.memory_space<hbm>> -> memref<128x128xf32, #tpu.memory_space<hbm>>
      %dma_start3A_288 = arith.constant 0 : i32
      %dma_start3A_289 = arith.constant 0 : i32
      %dma_start3A_290 = tpu.memref_slice %arg7[%dma_start3A_279, %dma_start3A_288, %dma_start3A_289] : memref<4x128x128xf32, #tpu.memory_space<vmem>> -> memref<1x128x128xf32, #tpu.memory_space<vmem>>
      %dma_start3A_291 = tpu.memref_squeeze %dma_start3A_290 : memref<1x128x128xf32, #tpu.memory_space<vmem>> -> memref<128x128xf32, #tpu.memory_space<vmem>>
      tpu.enqueue_dma source(%dma_start3A_291 : memref<128x128xf32, #tpu.memory_space<vmem>>) target(%dma_start3A_287 : memref<128x128xf32, #tpu.memory_space<hbm>>) target_semaphore(%arg20 : memref<!tpu.dma_semaphore, #tpu.memory_space<semaphore_mem>>)
      %ge3A_292 = arith.constant 2 : i32
      %ge3A_293 = arith.cmpi sge, %add3A_257, %ge3A_292 : i32
      %convert_element_type3A_294 = arith.extui %ge3A_293 : i1 to i32
      %cond3A_295 = arith.constant 0 : i32
      %cond3A_296 = arith.cmpi ne, %convert_element_type3A_294, %cond3A_295 : i32
      scf.if %cond3A_296 {
        %sub3A = arith.constant 2 : i32
        %sub3A_304 = arith.subi %add3A_257, %sub3A : i32
        %mul3A_305 = arith.constant 128 : i32
        %mul3A_306 = arith.muli %sub3A_304, %mul3A_305 : i32
        %add3A_307 = arith.addi %mul3A_2, %mul3A_306 : i32
        %dma_wait3A_308 = arith.constant 1 : i32
        %dma_wait3A_309 = arith.constant 0 : i32
        %dma_wait3A_310 = arith.constant 0 : i32
        %dma_wait3A_311 = tpu.memref_slice %arg7[%dma_wait3A_308, %dma_wait3A_309, %dma_wait3A_310] : memref<4x128x128xf32, #tpu.memory_space<vmem>> -> memref<1x128x128xf32, #tpu.memory_space<vmem>>
        %dma_wait3A_312 = tpu.memref_squeeze %dma_wait3A_311 : memref<1x128x128xf32, #tpu.memory_space<vmem>> -> memref<128x128xf32, #tpu.memory_space<vmem>>
        %dma_wait3A_313 = arith.constant 0 : i32
        %dma_wait3A_314 = tpu.memref_slice %arg5[%add3A_307, %dma_wait3A_313] : memref<524288x128xf32, #tpu.memory_space<hbm>> -> memref<128x128xf32, #tpu.memory_space<hbm>>
        %dma_wait3A_315 = arith.constant 0 : i32
        %dma_wait3A_316 = tpu.memref_slice %arg5[%add3A_307, %dma_wait3A_315] : memref<524288x128xf32, #tpu.memory_space<hbm>> -> memref<128x128xf32, #tpu.memory_space<hbm>>
        %dma_wait3A_317 = arith.constant 0 : i32
        %dma_wait3A_318 = arith.constant 0 : i32
        %dma_wait3A_319 = tpu.memref_slice %arg7[%dma_wait3A_308, %dma_wait3A_317, %dma_wait3A_318] : memref<4x128x128xf32, #tpu.memory_space<vmem>> -> memref<1x128x128xf32, #tpu.memory_space<vmem>>
        %dma_wait3A_320 = tpu.memref_squeeze %dma_wait3A_319 : memref<1x128x128xf32, #tpu.memory_space<vmem>> -> memref<128x128xf32, #tpu.memory_space<vmem>>
        tpu.wait_dma2 semaphore(%arg18 : memref<!tpu.dma_semaphore, #tpu.memory_space<semaphore_mem>>) src(%dma_wait3A_320 : memref<128x128xf32, #tpu.memory_space<vmem>>) dst(%dma_wait3A_316 : memref<128x128xf32, #tpu.memory_space<hbm>>)
      } else {
      }
      %add3A_297 = arith.constant 2 : i32
      %add3A_298 = arith.addi %add3A_257, %add3A_297 : i32
      %lt3A_299 = arith.constant 128 : i32
      %lt3A_300 = arith.cmpi slt, %add3A_298, %lt3A_299 : i32
      %convert_element_type3A_301 = arith.extui %lt3A_300 : i1 to i32
      %cond3A_302 = arith.constant 0 : i32
      %cond3A_303 = arith.cmpi ne, %convert_element_type3A_301, %cond3A_302 : i32
      scf.if %cond3A_303 {
        %add3A_304 = arith.constant 2 : i32
        %add3A_305 = arith.addi %add3A_257, %add3A_304 : i32
        %rem3A_306 = arith.constant 4 : i32
        %rem3A_307 = arith.remsi %add3A_305, %rem3A_306 : i32
        %mul3A_308 = arith.constant 128 : i32
        %mul3A_309 = arith.muli %rem3A_307, %mul3A_308 : i32
        %dma_start3A_310 = arith.constant 1 : i32
        %dma_start3A_311 = arith.constant 0 : i32
        %dma_start3A_312 = arith.constant 0 : i32
        %dma_start3A_313 = tpu.memref_slice %arg7[%dma_start3A_310, %dma_start3A_311, %dma_start3A_312] : memref<4x128x128xf32, #tpu.memory_space<vmem>> -> memref<1x128x128xf32, #tpu.memory_space<vmem>>
        %dma_start3A_314 = tpu.memref_squeeze %dma_start3A_313 : memref<1x128x128xf32, #tpu.memory_space<vmem>> -> memref<128x128xf32, #tpu.memory_space<vmem>>
        %dma_start3A_315 = arith.constant 0 : i32
        %dma_start3A_316 = tpu.memref_slice %arg8[%mul3A_309, %dma_start3A_315] : memref<512x128xf32, #tpu.memory_space<vmem_shared>> -> memref<128x128xf32, #tpu.memory_space<vmem_shared>>
        %dma_start3A_317 = arith.constant 0 : i32
        %dma_start3A_318 = arith.constant 0 : i32
        %dma_start3A_319 = tpu.memref_slice %arg7[%dma_start3A_310, %dma_start3A_317, %dma_start3A_318] : memref<4x128x128xf32, #tpu.memory_space<vmem>> -> memref<1x128x128xf32, #tpu.memory_space<vmem>>
        %dma_start3A_320 = tpu.memref_squeeze %dma_start3A_319 : memref<1x128x128xf32, #tpu.memory_space<vmem>> -> memref<128x128xf32, #tpu.memory_space<vmem>>
        %dma_start3A_321 = arith.constant 0 : i32
        %dma_start3A_322 = tpu.memref_slice %arg8[%mul3A_309, %dma_start3A_321] : memref<512x128xf32, #tpu.memory_space<vmem_shared>> -> memref<128x128xf32, #tpu.memory_space<vmem_shared>>
        tpu.enqueue_dma source(%dma_start3A_322 : memref<128x128xf32, #tpu.memory_space<vmem_shared>>) target(%dma_start3A_320 : memref<128x128xf32, #tpu.memory_space<vmem>>) target_semaphore(%arg10 : memref<!tpu.dma_semaphore, #tpu.memory_space<semaphore_mem>>)
      } else {
      }
    }
    %scan3A_76 = arith.constant 32 : i32
    %add3A_77 = arith.constant 16128 : i32
    %add3A_78 = arith.addi %mul3A_2, %add3A_77 : i32
    %dma_wait3A_79 = arith.constant 2 : i32
    %dma_wait3A_80 = arith.constant 0 : i32
    %dma_wait3A_81 = arith.constant 0 : i32
    %dma_wait3A_82 = tpu.memref_slice %arg7[%dma_wait3A_79, %dma_wait3A_80, %dma_wait3A_81] : memref<4x128x128xf32, #tpu.memory_space<vmem>> -> memref<1x128x128xf32, #tpu.memory_space<vmem>>
    %dma_wait3A_83 = tpu.memref_squeeze %dma_wait3A_82 : memref<1x128x128xf32, #tpu.memory_space<vmem>> -> memref<128x128xf32, #tpu.memory_space<vmem>>
    %dma_wait3A_84 = arith.constant 0 : i32
    %dma_wait3A_85 = tpu.memref_slice %arg5[%add3A_78, %dma_wait3A_84] : memref<524288x128xf32, #tpu.memory_space<hbm>> -> memref<128x128xf32, #tpu.memory_space<hbm>>
    %dma_wait3A_86 = arith.constant 0 : i32
    %dma_wait3A_87 = tpu.memref_slice %arg5[%add3A_78, %dma_wait3A_86] : memref<524288x128xf32, #tpu.memory_space<hbm>> -> memref<128x128xf32, #tpu.memory_space<hbm>>
    %dma_wait3A_88 = arith.constant 0 : i32
    %dma_wait3A_89 = arith.constant 0 : i32
    %dma_wait3A_90 = tpu.memref_slice %arg7[%dma_wait3A_79, %dma_wait3A_88, %dma_wait3A_89] : memref<4x128x128xf32, #tpu.memory_space<vmem>> -> memref<1x128x128xf32, #tpu.memory_space<vmem>>
    %dma_wait3A_91 = tpu.memref_squeeze %dma_wait3A_90 : memref<1x128x128xf32, #tpu.memory_space<vmem>> -> memref<128x128xf32, #tpu.memory_space<vmem>>
    tpu.wait_dma2 semaphore(%arg19 : memref<!tpu.dma_semaphore, #tpu.memory_space<semaphore_mem>>) src(%dma_wait3A_91 : memref<128x128xf32, #tpu.memory_space<vmem>>) dst(%dma_wait3A_87 : memref<128x128xf32, #tpu.memory_space<hbm>>)
    %add3A_92 = arith.constant 16256 : i32
    %add3A_93 = arith.addi %mul3A_2, %add3A_92 : i32
    %dma_wait3A_94 = arith.constant 3 : i32
    %dma_wait3A_95 = arith.constant 0 : i32
    %dma_wait3A_96 = arith.constant 0 : i32
    %dma_wait3A_97 = tpu.memref_slice %arg7[%dma_wait3A_94, %dma_wait3A_95, %dma_wait3A_96] : memref<4x128x128xf32, #tpu.memory_space<vmem>> -> memref<1x128x128xf32, #tpu.memory_space<vmem>>
    %dma_wait3A_98 = tpu.memref_squeeze %dma_wait3A_97 : memref<1x128x128xf32, #tpu.memory_space<vmem>> -> memref<128x128xf32, #tpu.memory_space<vmem>>
    %dma_wait3A_99 = arith.constant 0 : i32
    %dma_wait3A_100 = tpu.memref_slice %arg5[%add3A_93, %dma_wait3A_99] : memref<524288x128xf32, #tpu.memory_space<hbm>> -> memref<128x128xf32, #tpu.memory_space<hbm>>
    %dma_wait3A_101 = arith.constant 0 : i32
    %dma_wait3A_102 = tpu.memref_slice %arg5[%add3A_93, %dma_wait3A_101] : memref<524288x128xf32, #tpu.memory_space<hbm>> -> memref<128x128xf32, #tpu.memory_space<hbm>>
    %dma_wait3A_103 = arith.constant 0 : i32
    %dma_wait3A_104 = arith.constant 0 : i32
    %dma_wait3A_105 = tpu.memref_slice %arg7[%dma_wait3A_94, %dma_wait3A_103, %dma_wait3A_104] : memref<4x128x128xf32, #tpu.memory_space<vmem>> -> memref<1x128x128xf32, #tpu.memory_space<vmem>>
    %dma_wait3A_106 = tpu.memref_squeeze %dma_wait3A_105 : memref<1x128x128xf32, #tpu.memory_space<vmem>> -> memref<128x128xf32, #tpu.memory_space<vmem>>
    tpu.wait_dma2 semaphore(%arg20 : memref<!tpu.dma_semaphore, #tpu.memory_space<semaphore_mem>>) src(%dma_wait3A_106 : memref<128x128xf32, #tpu.memory_space<vmem>>) dst(%dma_wait3A_102 : memref<128x128xf32, #tpu.memory_space<hbm>>)
    return
  }
}

</mosaic_0001>

<sc_bundles>
// kernel: kernel.3.cloned.1.call-start
scs
__scs_entry_jumppad:
0x0: {  	(pc) =	sbr.rel $0x88, $3  }
0x1: {  	(tag) =	ssettag $0x0;
	lr =	simm.s32 $0x1  }
0x2: {  	[smem:$0x3F9F] =	sst lr;
	_ =	strace $0xD0000000  }
0x3: {  	_ = 	snop  }
0x4: {  	_ = 	snop  }
0x5: {  	_ = 	snop  }
0x6: {  	_ = 	snop  }
0x7: {  	_ = 	snop  }
__scs_overlays_trampoline_lowered:
0x8: {  	[smem:$0x3FAE] =	sst s0  }
0x9: {  	[smem:$0x3FAF] =	sst s1  }
0xa: {  	[smem:$0x3FB0] =	sst s2  }
0xb: {  	[smem:$0x3FB1] =	sst s3  }
0xc: {  	[smem:$0x3FB2] =	sst s4  }
0xd: {  	[smem:$0x3FB3] =	sst s5  }
0xe: {  	[smem:$0x3FB4] =	sst s6  }
0xf: {  	[smem:$0x3FB5] =	sst s7  }
0x10: {  	[smem:$0x3FB6] =	sst s8  }
0x11: {  	[smem:$0x3FB7] =	sst s9;
	s0 =	simm.s32 @!p0 $0x0  }
0x12: {  	s1 =	sld [smem:$0x3F9D];
	s0 =	simm.s32 @p0 $0x1  }
0x13: {  	[smem:$0x3FB8] =	sst s0;
	s0 =	simm.s32 @!p1 $0x0  }
0x14: {  	s2 =	sld [smem:$0x3F9C];
	s0 =	simm.s32 @p1 $0x1  }
0x15: {  	[smem:$0x3FB9] =	sst s0;
	s0 =	simm.s32 @!p2 $0x0  }
0x16: {  	s3 =	sld [smem:$0x3FDB];
	s0 =	simm.s32 @p2 $0x1  }
0x17: {  	s4 =	simm.s32 $0x1BF5;
	[smem:$0x3FBB] =	sst s0  }
0x18: {  	s0 =	sld [smem:$0x3F9E];
	_ =	swait.ge [sflag:s4], $0x0  }
0x19: {  	s7 =	sld [smem:$0x3F9F]  }
0x1a: {  	s8 =	sadd.s32 $0xFFFFE003, lr  }
0x1b: {  	s9 =	sadd.s32 $0xFFFFFEF7, lr;
	s5 =	simm.s32 $0xFFFFFFFF;
	p2 =	slt.u32 s8, $0xFFFFF086  }
0x1c: {  	p1 =	slt.u32 s9, $0xF7A;
	s5 =	simm.s32 @!p2 $0x0  }
0x1d: {  	s5 =	simm.s32 @p1 $0x1;
	p0 =	seq.s32 s7, s2  }
0x1e: {  	s7 =	smul.u32 @!p0 $0xF7A, s2;
	p2 =	seq.s32 @!p0 s5, $0x0  }
0x1f: {  	s9 =	smul.u32 $0xF7A, s1;
	s8 =	simm.s32 @!p0 $0x1BF5;
	p2 =	por !p2, p0  }
0x20: {  	[sflag:s8] =	ssyncset.s32 @!p0 $0xFFFFF086;
	s6 =	sadd.s32 @!p0 s3, s7;
	s7 =	simm.s32 @!p0 $0x108  }
0x21: {  	s3 =	sadd.s32 s3, s9;
	s6 =	sadd.s32 @!p0 $0x88, s6;
	s7 =	simm.s32 @p2 $0x1082  }
0x22: {  	[simem:s7], [sflag:s8] =	dma.local @!p0 [hbm:s6], $0xF7A  }
0x23: {  	s9 =	sor.u32 $0xD0000000, s2;
	s6 =	simm.s32 $0x108;
	_ =	swait.ge @!p0 [sflag:s8], $0x0  }
0x24: {  	s3 =	sadd.s32 $0x88, s3;
	s6 =	simm.s32 @!p1 $0x1082;
	[sflag:s4] =	ssyncset.s32 $0xFFFFF086  }
0x25: {  	[simem:s6], [sflag:s4] =	dma.local [hbm:s3], $0xF7A  }
0x26: {  	[smem:$0x3F9F] =	sst s1;
	(tag) =	ssettag s2;
	_ =	strace s9  }
0x27: {  	s1 =	sld [smem:$0x3FAF]  }
0x28: {  	s2 =	sld [smem:$0x3FB0]  }
0x29: {  	s4 =	sld [smem:$0x3FB2]  }
0x2a: {  	p0 =	seq.s32 s5, $0x0;
	s5 =	sld [smem:$0x3FB3]  }
0x2b: {  	s6 =	sld [smem:$0x3FB4]  }
0x2c: {  	s7 =	sld [smem:$0x3FB5]  }
0x2d: {  	s3 =	simm.s32 $0x108;
	s8 =	sld [smem:$0x3FB6]  }
0x2e: {  	s3 =	simm.s32 @!p0 $0x1082;
	s9 =	sld [smem:$0x3FB7]  }
0x2f: {  	lr =	sadd.s32 s0, s3;
	s0 =	sld [smem:$0x3FAE]  }
0x30: {  	s3 =	sld [smem:$0x3FB1]  }
0x31: {  	[smem:$0x3FBA] =	sst s10  }
0x32: {  	s10 =	sld [smem:$0x3FB8];
	_ =	sdelay $0x3  }
0x33: {  	p0 =	seq.s32 s10, $0x1;
	s10 =	sld [smem:$0x3FBA];
	_ =	sdelay $0x3  }
0x34: {  	[smem:$0x3FBA] =	sst s10  }
0x35: {  	s10 =	sld [smem:$0x3FB9];
	_ =	sdelay $0x3  }
0x36: {  	p1 =	seq.s32 s10, $0x1;
	s10 =	sld [smem:$0x3FBA];
	_ =	sdelay $0x3  }
0x37: {  	[smem:$0x3FBA] =	sst s10  }
0x38: {  	s10 =	sld [smem:$0x3FBB]  }
0x39: {  	_ = 	snop;
	(pc) =	sbr.ind lr, $3  }
0x3a: {  	_ = 	snop  }
0x3b: {  	_ = 	snop  }
0x3c: {  	p2 =	seq.s32 s10, $0x1;
	s10 =	sld [smem:$0x3FBA]  }
0x3d: {  	_ =	shalt  }
0x3e: {  	_ =	shalt  }
0x3f: {  	_ =	shalt  }
0x40: {  	_ =	shalt  }
0x41: {  	_ =	shalt  }
0x42: {  	_ =	shalt  }
0x43: {  	_ =	shalt  }
0x44: {  	_ =	shalt  }
0x45: {  	_ =	shalt  }
0x46: {  	_ =	shalt  }
0x47: {  	_ =	shalt  }
0x48: {  	_ =	shalt  }
0x49: {  	_ =	shalt  }
0x4a: {  	_ =	shalt  }
0x4b: {  	_ =	shalt  }
0x4c: {  	_ =	shalt  }
0x4d: {  	_ =	shalt  }
0x4e: {  	_ =	shalt  }
0x4f: {  	_ =	shalt  }
0x50: {  	_ =	shalt  }
0x51: {  	_ =	shalt  }
0x52: {  	_ =	shalt  }
0x53: {  	_ =	shalt  }
0x54: {  	_ =	shalt  }
0x55: {  	_ =	shalt  }
0x56: {  	_ =	shalt  }
0x57: {  	_ =	shalt  }
0x58: {  	_ =	shalt  }
0x59: {  	_ =	shalt  }
0x5a: {  	_ =	shalt  }
0x5b: {  	_ =	shalt  }
0x5c: {  	_ =	shalt  }
0x5d: {  	_ =	shalt  }
0x5e: {  	_ =	shalt  }
0x5f: {  	_ =	shalt  }
0x60: {  	_ =	shalt  }
0x61: {  	_ =	shalt  }
0x62: {  	_ =	shalt  }
0x63: {  	_ =	shalt  }
0x64: {  	_ =	shalt  }
0x65: {  	_ =	shalt  }
0x66: {  	_ =	shalt  }
0x67: {  	_ =	shalt  }
0x68: {  	_ =	shalt  }
0x69: {  	_ =	shalt  }
0x6a: {  	_ =	shalt  }
0x6b: {  	_ =	shalt  }
0x6c: {  	_ =	shalt  }
0x6d: {  	_ =	shalt  }
0x6e: {  	_ =	shalt  }
0x6f: {  	_ =	shalt  }
0x70: {  	_ =	shalt  }
0x71: {  	_ =	shalt  }
0x72: {  	_ =	shalt  }
0x73: {  	_ =	shalt  }
0x74: {  	_ =	shalt  }
0x75: {  	_ =	shalt  }
0x76: {  	_ =	shalt  }
0x77: {  	_ =	shalt  }
0x78: {  	_ =	shalt  }
0x79: {  	_ =	shalt  }
0x7a: {  	_ =	shalt  }
0x7b: {  	_ =	shalt  }
0x7c: {  	_ =	shalt  }
0x7d: {  	_ =	shalt  }
0x7e: {  	_ =	shalt  }
0x7f: {  	_ =	shalt  }
0x80: {  	_ =	shalt  }
0x81: {  	_ =	shalt  }
0x82: {  	_ =	shalt  }
0x83: {  	_ =	shalt  }
0x84: {  	_ =	shalt  }
0x85: {  	_ =	shalt  }
0x86: {  	_ =	shalt  }
0x87: {  	_ =	shalt  }
.Lfunc_end0:
.L_simem_size_0:
called_computation_lowered:
.L_overlay_start_0:
0x88: {  	s2 =	sld [smem:$0x3FD9]  }
0x89: {  	s3 =	sld [smem:$0x3FFE];
	_ =	sdelay $0x1  }
0x8a: {  	s1 =	srdreg.scid  }
0x8b: {  	s0 =	sand.u32 $0x1, s1  }
0x8c: {  	s17 =	sshll.u32 s0, $0xA;
	s2 =	sadd.s32 s3, s2  }
0x8d: {  	s2 =	sadd.s32 s2, s17  }
0x8e: {  	[smem:$0x3FC6] =	sst s2  }
0x8f: {  	_ = 	snop  }
0x90: {  	s2 =	sld [smem:$0x3FC8]  }
0x91: {  	s18 =	sld [smem:$0x3FD0];
	(tm) =	ssettm $0x1  }
0x92: {  	s4 =	sld [smem:$0x3FFB];
	_ =	sdelay $0x3  }
0x93: {  	_ =	strace s4  }
0x94: {  	s4 =	sld [smem:$0x3FFC];
	_ =	sdelay $0x3  }
0x95: {  	_ =	strace s4  }
0x96: {  	s4 =	sld [smem:$0x3FFD];
	_ =	sdelay $0x3  }
0x97: {  	_ =	strace s4  }
0x98: {  	_ =	strace $0x8FFFFFFF  }
0x99: {  	s19 =	sld [smem:$0x3FDB];
	_ =	sdelay $0x1  }
0x9a: {  	s5 =	simm.s32 $_scs_section_size  }
0x9b: {  	s6 =	simm.s32 $_size__tile_overlayer_lowered;
	s7 =	simm.s32 $_tile_overlayer_lowered  }
0x9c: {  	s22 =	simm.s32 $0x1BFF;
	s21 =	sshll.u32 s7, $0x1;
	s4 =	sadd.s32 s5, s19  }
0x9d: {  	s8 =	simm.s32 $0x0;
	s20 =	sshll.u32 s6, $0x1;
	s6 =	sadd.s32 s21, s4  }
0x9e: {  	[timem:s8], [sflag:s22] =	dma.local [hbm:s6], s20  }
0x9f: {  	_ =	swait.ge [sflag:s22], s20  }
0xa0: {  	s5 =	ssub.s32 $0x0, s20;
	[sflag:s22] =	ssyncset.done $0x0  }
0xa1: {  	[sflag:s22] =	ssyncadd.s32 s5;
	_ =	sdelay $0x1  }
0xa2: {  	s23 =	simm.s32 $0x1B8B  }
0xa3: {  	_ =	swait.ge [sflag:s23], $0x1  }
0xa4: {  	[sflag:s23] =	ssyncset.done $0x0  }
0xa5: {  	s25 =	simm.s32 $0x1B8E;
	s24 =	sld [smem:$0x3FFE];
	[sflag:s23] =	ssyncadd.s32 $0xFFFFFFFF  }
0xa6: {  	s26 =	simm.s32 $execute0_lowered;
	[smem:$0x3FD2] =	sst s25  }
0xa7: {  	s6 =	sshll.u32 s26, $0x1;
	_ =	strace $0x80000046;
	[dreg:$0x1] =	wrdreg $0xFFFFFFFF  }
0xa8: {  	s28 =	simm.s32 $_size_execute0_lowered;
	s4 =	sadd.s32 s4, s6;
	[dreg:$0x0] =	wrdreg $0x0  }
0xa9: {  	s6 =	sshll.u32 s28, $0x1;
	[dreg:$0x2] =	wrdreg s4  }
0xaa: {  	[dreg:$0x3] =	wrdreg s6  }
0xab: {  	[dreg:$0x4] =	wrdreg $0xC0  }
0xac: {  	_ =	task [dreg:s8], $0x5FFFF  }
0xad: {  	[dreg:$0x1] =	wrdreg $0xFFFFFFFF  }
0xae: {  	[dreg:$0x0] =	wrdreg $0x60  }
0xaf: {  	[dreg:$0x2] =	wrdreg s24  }
0xb0: {  	[dreg:$0x3] =	wrdreg s2  }
0xb1: {  	[dreg:$0x4] =	wrdreg s18  }
0xb2: {  	[dreg:$0x5] =	wrdreg $0x140000  }
0xb3: {  	[dreg:$0x6] =	wrdreg $0x9  }
0xb4: {  	_ =	task.clear_ibuf [dreg:s8], $0x7FFFF;
	_ =	strace $0x90000046  }
0xb5: {  	s29 =	simm.s32 $0x9;
	_ =	strace $0x80000048  }
0xb6: {  	_ =	swait.ge [sflag:s29], $0x1  }
0xb7: {  	[sflag:s29] =	ssyncadd.s32 $0xFFFFFFFF  }
0xb8: {  	_ =	strace $0x90000048  }
0xb9: {  	_ =	sfence  }
0xba: {  	s30 =	sld [smem:$0x0];
	_ =	sdelay $0x2  }
0xbb: {  	s31 =	sshll.u32 s1, $0xD;
	s1 =	sshrl.u32 s1, $0x2  }
0xbc: {  	s3 =	sand.u32 $0x4000, s31;
	s1 =	sadd.s32 s1, s30  }
0xbd: {  	s0 =	sor.u32 s3, s0;
	s1 =	sshll.u32 s1, $0x11  }
0xbe: {  	s0 =	sor.u32 s1, s0  }
0xbf: {  	s0 =	sadd.s32 $0x8F2B, s0  }
0xc0: {  	[sflag:s0] =	ssyncadd.remote.s32 $0x1  }
0xc1: {  	_ =	sfence.sel $0xFFFF  }
0xc2: {  	[dreg:$0x0] =	wrdreg $0xFFFFFFFF;
	(pc) =	sbr.abs _section_cstart, $3  }
0xc3: {  	[dreg:$0x1] =	wrdreg $0xFFFFFFFF  }
0xc4: {  	_ =	task.clear_ibuf [dreg:s8], $0x2FFFF;
	_ =	strace $0x9FFFFFFF  }
0xc5: {  	(tm) =	ssettm $0x7FFFFFFF  }
tec
execute0_lowered:
.L_overlay_start_1:
0x0: {  	(tag) =	ssettag $0x1  }
0x1: {  	s0 =	rddreg [dreg:$0x0]  }
0x2: {  	s1 =	rddreg [dreg:$0x1]  }
0x3: {  	s3 =	rddreg [dreg:$0x2]  }
0x4: {  	s2 =	rddreg [dreg:$0x3]  }
0x5: {  	s4 =	simm.s32 $0x0;
	s5 =	srdreg.scid;
	s12 =	stileid.u32  }
0x6: {  	s14 =	simm.s32 $0xD;
	s15 =	simm.s32 $0x4000;
	s16 =	simm.s32 $0x8000  }
0x7: {  	s17 =	simm.s32 $0x1;
	s18 =	simm.s32 $0x80;
	s19 =	simm.s32 $0x2  }
0x8: {  	s20 =	simm.s32 $0x5;
	s28 =	simm.s32 $0x9;
	s29 =	simm.s32 $0x8  }
0x9: {  	s30 =	simm.s32 $0xA;
	s31 =	simm.s32 $0xB;
	[smem:$0x7FF] =	sst s4  }
0xa: {  	s5 =	sand.u32 $0x1, s5;
	s6 =	sshll.u32 s12, $0xC;
	s9 =	sshll.u32 s12, $0x9  }
0xb: {  	s21 =	sshll.u32 s12, $0x6;
	s23 =	sshll.u32 s12, $0x13;
	_ =	strace $0x80000047  }
0xc: {  	s7 =	sshll.u32 s5, $0xB;
	s8 =	ssub.s32 $0x2, s5;
	s25 =	sshll.u32 s5, $0x12  }
0xd: {  	s7 =	sor.u32 s7, s6;
	s10 =	sshrl.u32 s8, $0x1;
	s6 =	sadd.s32 s6, s2  }
0xe: {  	s7 =	sadd.s32 s7, s0;
	s0 =	sadd.s32 s9, s0;
	s11 =	ssub.s32 s8, s10  }
0xf: {  	s8 =	sadd.s32 $0x4000, s2;
	s9 =	sadd.s32 $0x8000, s2;
	s26 =	sshrl.u32 s6, $0x3  }
0x10: {  	s10 =	sadd.s32 $0xC000, s2;
	s0 =	sadd.s32 $0x10400, s0;
	[dreg:$0x9] =	wrdreg s26  }
0x11: {  	s22 =	sadd.s32 $0x400, s7;
	s24 =	smax.u32 s11, $0x1;
	[dreg:$0x5] =	wrdreg s0  }
.Ltmp0:
0x12: {  	s26 =	simm.s32 $0x7;
	[dreg:$0x7] =	wrdreg s22;
	(pc) =	sbr.rel .LBB2_1-.Ltmp0, $4  }
0x13: {  	s0 =	sor.u32 $0x1C0D, s21;
	[dreg:$0x8] =	wrdreg s24;
	s21 =	simm.s32 $0xC000  }
0x14: {  	s22 =	simm.s32 $0x3;
	s24 =	simm.s32 $0x10000;
	[dreg:$0x6] =	wrdreg s0  }
0x15: {  	s0 =	sadd.s32 s23, s3;
	s23 =	simm.s32 $0x6;
	s3 =	simm.s32 $0x0  }
0x16: {  	s5 =	sadd.s32 s25, s0;
	s25 =	simm.s32 $0x4;
	s0 =	simm.s32 $0xC  }
.LBB2_4:
0x17: {  	_ =	swait.ge [sflag:s31], $0x4000  }
0x18: {  	[sflag:s31] =	ssyncset.done $0x0  }
0x19: {  	[sflag:s31] =	ssyncadd.s32 $0xFFFFC000  }
0x1a: {  	_ =	swait.ge [sflag:s0], $0x4000  }
0x1b: {  	s3 =	sadd.s32 $0x1, s3;
	s6 =	rddreg [dreg:$0x8]  }
0x1c: {  	p0 =	sne.s32 s3, s6  }
.Ltmp1:
0x1d: {  	_ = 	snop;
	(pc) =	sbr.rel @!p0 .LBB2_5-.Ltmp1, $3  }
0x1e: {  	_ =	sdelay $0x1  }
0x1f: {  	[sflag:s0] =	ssyncset.done $0x0  }
0x20: {  	[sflag:s0] =	ssyncadd.s32 $0xFFFFC000  }
.LBB2_1:
0x21: {  	s6 =	rddreg [dreg:$0x5]  }
0x22: {  	s7 =	rddreg [dreg:$0x6]  }
0x23: {  	s11 =	rddreg [dreg:$0x9]  }
0x24: {  	[spmem:s11], [sflag:s7] =	dma.local [hbm:s6], $0x200  }
0x25: {  	_ =	swait.ge [sflag:s14], $0x200  }
0x26: {  	[sflag:s14] =	ssyncset.done $0x0  }
0x27: {  	s13 =	rddreg [dreg:$0x7];
	[sflag:s14] =	ssyncadd.s32 $0xFFFFFE00  }
0x28: {  	[tilespmem:s4], [sflag:$0xD] =	stream.linear.gather [hbm4b:s13+s4], $0x4000, $0x38;
	[tilespmem:$0x15000] =	vst v63  }
0x29: {  	_ =	swait.ge [sflag:s14], $0x4000  }
0x2a: {  	[sflag:s14] =	ssyncset.done $0x0  }
0x2b: {  	[sflag:s14] =	ssyncadd.s32 $0xFFFFC000  }
0x2c: {  	[bflag:$0x0] =	sbarrier.arrive $0xFFFF  }
0x2d: {  	[tilespmem:s15], [sflag:$0x1] =	stream.linear.gather [spmem:s2], $0x4000, $0x38;
	[tilespmem:$0x15000] =	vst v63  }
0x2e: {  	_ = 	snop  }
0x2f: {  	[tilespmem:s16], [sflag:$0x2] =	stream.linear.gather [spmem:s8], $0x4000, $0x38;
	[tilespmem:$0x15000] =	vst v63  }
0x30: {  	_ =	swait.ge [sflag:s17], $0x4000  }
0x31: {  	[sflag:s17] =	ssyncset.done $0x0  }
0x32: {  	s12 =	smov.u32 s5;
	s6 =	simm.s32 $0x0;
	[sflag:s17] =	ssyncadd.s32 $0xFFFFC000  }
0x33: {  	[tilespmem:s15], [sflag:$0x5] =	stream.indirect.gather.add.f32 [hbm:s1], $0x80, s4, s18, $0xb8;
	[tilespmem:$0x15000] =	vst v63  }
.LBB2_2:
0x34: {  	_ =	swait.ge [sflag:s19], $0x4000  }
0x35: {  	s7 =	sshra.s32 s6, $0x2;
	[sflag:s19] =	ssyncset.done $0x0  }
0x36: {  	s11 =	sadd.s32 $0x80, s7;
	[sflag:s19] =	ssyncadd.s32 $0xFFFFC000  }
0x37: {  	[tilespmem:s16], [sflag:$0x6] =	stream.indirect.gather.add.f32 [hbm:s1], $0x80, s11, s18, $0xb8;
	[tilespmem:$0x15000] =	vst v63  }
0x38: {  	_ =	swait.ge [sflag:s20], $0x4000  }
0x39: {  	p0 =	seq.s32 s6, $0x0;
	[sflag:s20] =	ssyncset.done $0x0  }
0x3a: {  	s11 =	simm.s32 @!p0 $0xB;
	[sflag:s20] =	ssyncadd.s32 $0xFFFFC000  }
0x3b: {  	[hbm4b:s12+s4] =	stream.linear.scatter [tilespmem:s15], [sflag:$0x9], $0x4000, $0x38;
	[tilespmem:$0x15000] =	vst v63  }
0x3c: {  	_ =	swait.ge @!p0 [sflag:s11], $0x4000  }
0x3d: {  	[sflag:s11] =	ssyncset.done @!p0 $0x0  }
0x3e: {  	[sflag:s11] =	ssyncadd.s32 @!p0 $0xFFFFC000  }
0x3f: {  	[tilespmem:s21], [sflag:$0x3] =	stream.linear.gather [spmem:s9], $0x4000, $0x38;
	[tilespmem:$0x15000] =	vst v63  }
0x40: {  	_ =	swait.ge [sflag:s22], $0x4000  }
0x41: {  	[sflag:s22] =	ssyncset.done $0x0  }
0x42: {  	s13 =	sadd.s32 $0x100, s7;
	[sflag:s22] =	ssyncadd.s32 $0xFFFFC000  }
0x43: {  	[tilespmem:s21], [sflag:$0x7] =	stream.indirect.gather.add.f32 [hbm:s1], $0x80, s13, s18, $0xb8;
	[tilespmem:$0x15000] =	vst v63  }
0x44: {  	_ =	swait.ge [sflag:s23], $0x4000  }
0x45: {  	[sflag:s23] =	ssyncset.done $0x0  }
0x46: {  	s11 =	simm.s32 @!p0 $0xC;
	s13 =	sadd.s32 $0x800, s12;
	[sflag:s23] =	ssyncadd.s32 $0xFFFFC000  }
0x47: {  	[hbm4b:s13+s4] =	stream.linear.scatter [tilespmem:s16], [sflag:$0xA], $0x4000, $0x38;
	[tilespmem:$0x15000] =	vst v63  }
0x48: {  	_ =	swait.ge @!p0 [sflag:s11], $0x4000  }
0x49: {  	[sflag:s11] =	ssyncset.done @!p0 $0x0  }
0x4a: {  	[sflag:s11] =	ssyncadd.s32 @!p0 $0xFFFFC000  }
0x4b: {  	[tilespmem:s24], [sflag:$0x4] =	stream.linear.gather [spmem:s10], $0x4000, $0x38;
	[tilespmem:$0x15000] =	vst v63  }
0x4c: {  	_ =	swait.ge [sflag:s25], $0x4000  }
0x4d: {  	[sflag:s25] =	ssyncset.done $0x0  }
0x4e: {  	s7 =	sadd.s32 $0x180, s7;
	[sflag:s25] =	ssyncadd.s32 $0xFFFFC000  }
0x4f: {  	[tilespmem:s24], [sflag:$0x8] =	stream.indirect.gather.add.f32 [hbm:s1], $0x80, s7, s18, $0xb8;
	[tilespmem:$0x15000] =	vst v63  }
0x50: {  	_ =	swait.ge [sflag:s26], $0x4000  }
0x51: {  	[sflag:s26] =	ssyncset.done $0x0  }
0x52: {  	s11 =	sadd.s32 $0x1000, s12;
	[sflag:s26] =	ssyncadd.s32 $0xFFFFC000  }
0x53: {  	[hbm4b:s11+s4] =	stream.linear.scatter [tilespmem:s21], [sflag:$0xB], $0x4000, $0x38;
	[tilespmem:$0x15000] =	vst v63  }
0x54: {  	_ =	swait.ge [sflag:s28], $0x4000  }
0x55: {  	p0 =	seq.s32 s6, $0xF800;
	[sflag:s28] =	ssyncset.done $0x0  }
0x56: {  	s7 =	simm.s32 @!p0 $0x4000;
	s11 =	simm.s32 @!p0 $0x1;
	[sflag:s28] =	ssyncadd.s32 $0xFFFFC000  }
0x57: {  	[tilespmem:s7], [sflag:$0x1] =	stream.linear.gather @!p0 [spmem:s2], $0x4000, $0x38;
	[tilespmem:$0x15000] =	vst v63  }
0x58: {  	_ =	swait.ge @!p0 [sflag:s11], $0x4000  }
0x59: {  	s13 =	sshra.s32 @!p0 s6, $0x2;
	[sflag:s11] =	ssyncset.done @!p0 $0x0  }
0x5a: {  	[sflag:s11] =	ssyncadd.s32 @!p0 $0xFFFFC000;
	s11 =	sadd.s32 @!p0 $0x200, s13;
	s13 =	simm.s32 @!p0 $0x80  }
0x5b: {  	[tilespmem:s7], [sflag:$0x5] =	stream.indirect.gather.add.f32 @!p0 [hbm:s1], $0x80, s11, s13, $0xb8;
	[tilespmem:$0x15000] =	vst v63  }
0x5c: {  	_ =	swait.ge [sflag:s29], $0x4000  }
0x5d: {  	[sflag:s29] =	ssyncset.done $0x0  }
.Ltmp2:
0x5e: {  	s13 =	sadd.s32 $0x1800, s12;
	[sflag:s29] =	ssyncadd.s32 $0xFFFFC000;
	(pc) =	sbr.rel @p0 .LBB2_4-.Ltmp2, $4  }
0x5f: {  	[hbm4b:s13+s4] =	stream.linear.scatter [tilespmem:s24], [sflag:$0xC], $0x4000, $0x38;
	[tilespmem:$0x15000] =	vst v63  }
0x60: {  	_ =	swait.ge [sflag:s30], $0x4000  }
0x61: {  	[sflag:s30] =	ssyncset.done $0x0  }
0x62: {  	[sflag:s30] =	ssyncadd.s32 $0xFFFFC000  }
.Ltmp3:
0x63: {  	(pc) =	sbr.rel .LBB2_2-.Ltmp3, $3  }
0x64: {  	_ =	sdelay $0x1  }
0x65: {  	[tilespmem:s16], [sflag:$0x2] =	stream.linear.gather [spmem:s8], $0x4000, $0x38;
	[tilespmem:$0x15000] =	vst v63  }
0x66: {  	s6 =	sadd.s32 $0x800, s6;
	s12 =	sadd.s32 $0x2000, s12  }
.LBB2_5:
0x67: {  	_ =	sfence.sel $0x180000  }
0x68: {  	[bflag:$0x0] =	sbarrier.arrive $0xFFFF  }
0x69: {  	_ =	strace $0x90000047  }
0x6a: {  	s0 =	stileid.u32;
	[bflag:$0x2] =	sbarrier.arrive $0xFFFF  }
0x6b: {  	p0 =	sne.s32 s0, $0x0;
	s0 =	rddreg [dreg:$0x4]  }
0x6c: {  	s0 =	sadd.s32 @!p0 $0x100000, s0  }
0x6d: {  	[sflag:s0] =	ssyncadd.tile.s32 @!p0 $0x1;
	_ =	shalt  }
.Lfunc_end2:
_tile_overlayer_lowered:
.L_overlay_start_2:
0x6e: {  	(tag) =	ssettag $0x2  }
0x6f: {  	s0 =	rddreg [dreg:$0x0];
	s2 =	stileid.u32  }
0x70: {  	s1 =	rddreg [dreg:$0x1];
	p0 =	sne.s32 s2, $0x0  }
0x71: {  	s3 =	rddreg [dreg:$0x2];
	[bflag:$0x3] =	sbarrier.arrive $0xFFFF;
	s2 =	simm.s32 @!p0 $0x1C0D  }
0x72: {  	[timem:s3], [sflag:s2] =	dma.local @!p0 [hbm:s0], s1  }
0x73: {  	s0 =	simm.s32 @!p0 $0xD  }
0x74: {  	_ =	swait.ge @!p0 [sflag:s0], s1  }
0x75: {  	s1 =	ssub.s32 @!p0 $0x0, s1;
	[sflag:s0] =	ssyncset.done @!p0 $0x0  }
0x76: {  	[sflag:s0] =	ssyncadd.s32 @!p0 s1  }
0x77: {  	[bflag:$0x3] =	sbarrier.arrive $0xFFFF  }
0x78: {  	_ =	shalt  }

</sc_bundles>
